<compile_context>
chip_gen: v7x
topology: tpu7x:2x2x1
jax: 0.10.2.dev20260603
libtpu: 0.0.44.dev20260713+nightly
codegen_flags: <defaults>
</compile_context>

<pallas_src>
import functools

import jax
import jax.numpy as jnp
from jax import lax
from jax.experimental import pallas as pl
from jax.experimental.pallas import tpu as pltpu
from jax.experimental.pallas import tpu_sc as plsc

N_NODES = 10000
D = 128
N_GRAPHS = 16
E = 320000

NC, NS = 2, 16
NW = NC * NS
CHUNK = 128
CPT0 = 105
CPT1 = 53
E_PAD = NS * (CPT0 + CPT1) * CHUNK
ACC_ROWS = 10240
ROWS_PER_TILE = ACC_ROWS // NS
ZROWS = 64

NODE_BLK = 1024
N_BLKS = ACC_ROWS // NODE_BLK


def _sc_agg_body(y_hbm, src_hbm, dst_hbm, acc_out, deg_out,
                 sidx_v, didx_v, rows_v, zbuf_v, deg_v, acc_sh, sem):
    cid = lax.axis_index("c")
    sid = lax.axis_index("s")
    wid = cid * NS + sid

    def _zrow(r, carry):
        for j in range(D // 16):
            zbuf_v[r, pl.ds(j * 16, 16)] = jnp.zeros((16,), jnp.float32)
        return carry
    lax.fori_loop(0, ZROWS, _zrow, 0)

    def _zdeg(i, carry):
        deg_v[pl.ds(i * 16, 16)] = jnp.zeros((16,), jnp.float32)
        return carry
    lax.fori_loop(0, ACC_ROWS // 16, _zdeg, 0)

    for j in range(ROWS_PER_TILE // ZROWS):
        pltpu.sync_copy(
            zbuf_v, acc_sh.at[pl.ds(sid * ROWS_PER_TILE + j * ZROWS, ZROWS)])
    plsc.subcore_barrier()

    ones = jnp.ones((16,), jnp.float32)
    ebase = jnp.where(cid == 0, sid * CPT0, NS * CPT0 + sid * CPT1) * CHUNK
    n_chunks = jnp.where(cid == 0, CPT0, CPT1)

    def _chunk(c, carry):
        base = ebase + c * CHUNK
        pltpu.sync_copy(src_hbm.at[pl.ds(base, CHUNK)], sidx_v)
        pltpu.sync_copy(dst_hbm.at[pl.ds(base, CHUNK)], didx_v)
        pltpu.async_copy(y_hbm.at[sidx_v], rows_v, sem).wait()
        pltpu.sync_copy(rows_v, acc_sh.at[didx_v], add=True)
        for j in range(CHUNK // 16):
            iv = didx_v[pl.ds(j * 16, 16)]
            plsc.addupdate_scatter(deg_v, [iv], ones)
        return carry
    lax.fori_loop(0, n_chunks, _chunk, 0)

    plsc.subcore_barrier()
    pltpu.sync_copy(
        acc_sh.at[pl.ds(sid * ROWS_PER_TILE, ROWS_PER_TILE)],
        acc_out.at[pl.ds(cid * ACC_ROWS + sid * ROWS_PER_TILE, ROWS_PER_TILE)])
    pltpu.sync_copy(deg_v, deg_out.at[wid])


@functools.cache
def _get_sc_agg():
    return functools.partial(
        pl.kernel,
        mesh=plsc.VectorSubcoreMesh(core_axis_name="c", subcore_axis_name="s"),
        compiler_params=pltpu.CompilerParams(needs_layout_passes=False),
        out_type=(
            jax.ShapeDtypeStruct((NC * ACC_ROWS, D), jnp.float32),
            jax.ShapeDtypeStruct((NW, ACC_ROWS), jnp.float32),
        ),
        scratch_types=[
            pltpu.VMEM((CHUNK,), jnp.int32),
            pltpu.VMEM((CHUNK,), jnp.int32),
            pltpu.VMEM((CHUNK, D), jnp.float32),
            pltpu.VMEM((ZROWS, D), jnp.float32),
            pltpu.VMEM((ACC_ROWS,), jnp.float32),
            pltpu.VMEM_SHARED((ACC_ROWS, D), jnp.float32),
            pltpu.SemaphoreType.DMA,
        ],
    )(_sc_agg_body)


def _tc1_body(x_ref, wa_ref, wb_ref, y_ref, r_ref):
    xb = x_ref[...]
    y_ref[...] = jnp.dot(xb, wa_ref[...], preferred_element_type=jnp.float32)
    r_ref[...] = jnp.dot(xb, wb_ref[...], preferred_element_type=jnp.float32)


def _conv_epilogue(acc_ref, deg_ref, r_ref, b_ref):
    deg = jnp.sum(deg_ref[...], axis=0)
    agg = acc_ref[0] + acc_ref[1]
    mean = agg / jnp.maximum(deg, 1.0)[:, None]
    return jnp.maximum(mean + b_ref[...] + r_ref[...], 0.0)


def _pool_contrib(batch_ref, h):
    b = batch_ref[0, 0, :]
    g = lax.broadcasted_iota(jnp.int32, (N_GRAPHS, NODE_BLK), 0)
    onehot = (g == b[None, :]).astype(jnp.float32)
    return jnp.dot(onehot, h, preferred_element_type=jnp.float32)


def _tc2_body(acc_ref, deg_ref, r_ref, b_ref, batch_ref, wa_ref, wb_ref,
              y2_ref, r2_ref, pool_ref):
    i = pl.program_id(0)
    h = _conv_epilogue(acc_ref, deg_ref, r_ref, b_ref)
    y2_ref[...] = jnp.dot(h, wa_ref[...], preferred_element_type=jnp.float32)
    r2_ref[...] = jnp.dot(h, wb_ref[...], preferred_element_type=jnp.float32)

    @pl.when(i == 0)
    def _():
        pool_ref[...] = jnp.zeros_like(pool_ref)
    pool_ref[...] += _pool_contrib(batch_ref, h)


def _tc3_body(acc_ref, deg_ref, r_ref, b_ref, batch_ref, pool1_ref,
              w1_ref, b1_ref, w2_ref, b2_ref, w3_ref, b3_ref,
              out_ref, pool2_ref):
    i = pl.program_id(0)
    h = _conv_epilogue(acc_ref, deg_ref, r_ref, b_ref)

    @pl.when(i == 0)
    def _():
        pool2_ref[...] = jnp.zeros_like(pool2_ref)
    pool2_ref[...] += _pool_contrib(batch_ref, h)

    @pl.when(i == N_BLKS - 1)
    def _():
        z = jnp.concatenate([pool1_ref[...], pool2_ref[...]], axis=-1)
        z = jnp.maximum(
            jnp.dot(z, w1_ref[...], preferred_element_type=jnp.float32)
            + b1_ref[...], 0.0)
        z = jnp.maximum(
            jnp.dot(z, w2_ref[...], preferred_element_type=jnp.float32)
            + b2_ref[...], 0.0)
        z = (jnp.dot(z, w3_ref[...], preferred_element_type=jnp.float32)
             + b3_ref[...])
        m = jnp.max(z, axis=-1, keepdims=True)
        lse = jnp.log(jnp.sum(jnp.exp(z - m), axis=-1, keepdims=True)) + m
        out_ref[...] = z - lse


def _full_spec(shape):
    return pl.BlockSpec(shape, lambda i: tuple(0 for _ in shape))


def kernel(x, edge_index, batch, W_rel1, b_rel1, W_root1, W_rel2, b_rel2,
           W_root2, W1, b1, W2, b2, W3, b3):
    src, dst = edge_index[0], edge_index[1]
    pad = E_PAD - E
    src_p = jnp.concatenate([src, jnp.zeros((pad,), jnp.int32)])
    pad_dst = N_NODES + jnp.arange(pad, dtype=jnp.int32) % (ACC_ROWS - N_NODES)
    dst_p = jnp.concatenate([dst, pad_dst])
    x_p = jnp.concatenate([x, jnp.zeros((ACC_ROWS - N_NODES, D), jnp.float32)])
    batch_p = jnp.concatenate(
        [batch, jnp.full((ACC_ROWS - N_NODES,), N_GRAPHS, jnp.int32)])
    batch3 = batch_p.reshape(N_BLKS, 1, NODE_BLK)

    y1, r1 = pl.pallas_call(
        _tc1_body,
        grid=(N_BLKS,),
        in_specs=[
            pl.BlockSpec((NODE_BLK, D), lambda i: (i, 0)),
            _full_spec((D, D)),
            _full_spec((D, D)),
        ],
        out_specs=[pl.BlockSpec((NODE_BLK, D), lambda i: (i, 0))] * 2,
        out_shape=[jax.ShapeDtypeStruct((ACC_ROWS, D), jnp.float32)] * 2,
    )(x_p, W_rel1, W_root1)

    acc1, degp = _get_sc_agg()(y1, src_p, dst_p)
    acc1 = acc1.reshape(NC, ACC_ROWS, D)

    blk_spec = pl.BlockSpec((NODE_BLK, D), lambda i: (i, 0))
    acc_spec = pl.BlockSpec((NC, NODE_BLK, D), lambda i: (0, i, 0))
    deg_spec = pl.BlockSpec((NW, NODE_BLK), lambda i: (0, i))
    batch_spec = pl.BlockSpec((1, 1, NODE_BLK), lambda i: (i, 0, 0))

    y2, r2, pool1 = pl.pallas_call(
        _tc2_body,
        grid=(N_BLKS,),
        in_specs=[
            acc_spec, deg_spec, blk_spec,
            _full_spec((1, D)), batch_spec,
            _full_spec((D, D)), _full_spec((D, D)),
        ],
        out_specs=[blk_spec, blk_spec, _full_spec((N_GRAPHS, D))],
        out_shape=[
            jax.ShapeDtypeStruct((ACC_ROWS, D), jnp.float32),
            jax.ShapeDtypeStruct((ACC_ROWS, D), jnp.float32),
            jax.ShapeDtypeStruct((N_GRAPHS, D), jnp.float32),
        ],
    )(acc1, degp, r1, b_rel1.reshape(1, D), batch3, W_rel2, W_root2)

    acc2, _deg2 = _get_sc_agg()(y2, src_p, dst_p)
    acc2 = acc2.reshape(NC, ACC_ROWS, D)

    out = pl.pallas_call(
        _tc3_body,
        grid=(N_BLKS,),
        in_specs=[
            acc_spec, deg_spec, blk_spec,
            _full_spec((1, D)), batch_spec,
            _full_spec((N_GRAPHS, D)),
            _full_spec((2 * D, D)), _full_spec((1, D)),
            _full_spec((D, D // 2)), _full_spec((1, D // 2)),
            _full_spec((D // 2, 10)), _full_spec((1, 10)),
        ],
        out_specs=pl.BlockSpec((N_GRAPHS, 10), lambda i: (0, 0)),
        out_shape=jax.ShapeDtypeStruct((N_GRAPHS, 10), jnp.float32),
        scratch_shapes=[pltpu.VMEM((N_GRAPHS, D), jnp.float32)],
    )(acc2, degp, r2, b_rel2.reshape(1, D), batch3, pool1,
      W1, b1.reshape(1, D), W2, b2.reshape(1, D // 2), W3,
      b3.reshape(1, 10))

    return out

# --- scband reference (transcript-rebuilt; emitter-appended) ---
"""Pipeline reference for scband-asap-18657337933851 (READ-ONLY COPY).

The authoritative reference and input builder live on the scoring server;
editing this copy changes nothing except your own understanding.
"""

import jax, jax.numpy as jnp
import numpy as np

N_NODES = 10000
N_EDGES = 320000
D_FEAT = 128
HIDDEN = 128
NUM_CLASSES = 10
NUM_GRAPHS = 16


def _glorot(key, fin, fout):
    lim = float(np.sqrt(6.0 / (fin + fout)))
    return jax.random.uniform(key, (fin, fout), jnp.float32, -lim, lim)


def setup_inputs(seed: int = 0) -> dict:
    key = jax.random.key(seed)
    ks = jax.random.split(key, 16)
    x = jax.random.normal(ks[0], (N_NODES, D_FEAT), dtype=jnp.float32)
    edge_index = jax.random.randint(ks[1], (2, N_EDGES), 0, N_NODES, dtype=jnp.int32)
    batch = jnp.sort(jax.random.randint(ks[2], (N_NODES,), 0, NUM_GRAPHS, dtype=jnp.int32))
    return {
        "x": x,
        "edge_index": edge_index,
        "batch": batch,
        "W_rel1": _glorot(ks[3], D_FEAT, HIDDEN), "b_rel1": jnp.zeros((HIDDEN,), jnp.float32),
        "W_root1": _glorot(ks[4], D_FEAT, HIDDEN),
        "W_rel2": _glorot(ks[5], HIDDEN, HIDDEN), "b_rel2": jnp.zeros((HIDDEN,), jnp.float32),
        "W_root2": _glorot(ks[6], HIDDEN, HIDDEN),
        "W1": _glorot(ks[7], 2 * HIDDEN, HIDDEN), "b1": jnp.zeros((HIDDEN,), jnp.float32),
        "W2": _glorot(ks[8], HIDDEN, HIDDEN // 2), "b2": jnp.zeros((HIDDEN // 2,), jnp.float32),
        "W3": _glorot(ks[9], HIDDEN // 2, NUM_CLASSES), "b3": jnp.zeros((NUM_CLASSES,), jnp.float32),
    }


def _graph_conv_mean(x, src, dst, W_rel, b_rel, W_root):
    # PyG GraphConv(aggr='mean'): out = lin_rel(mean_{j in N(i)} x_j) + lin_root(x_i)
    msg = jnp.take(x, src, axis=0)
    agg = jax.ops.segment_sum(msg, dst, num_segments=N_NODES)
    deg = jax.ops.segment_sum(jnp.ones((src.shape[0],), x.dtype), dst, num_segments=N_NODES)
    mean = agg / jnp.maximum(deg, 1.0)[:, None]
    return mean @ W_rel + b_rel + x @ W_root


def reference(x, edge_index, batch, W_rel1, b_rel1, W_root1, W_rel2, b_rel2, W_root2, W1, b1, W2, b2, W3, b3):
    src, dst = edge_index[0], edge_index[1]
    h = jax.nn.relu(_graph_conv_mean(x, src, dst, W_rel1, b_rel1, W_root1))
    xs = [jax.ops.segment_sum(h, batch, num_segments=NUM_GRAPHS)]
    # num_layers=2 -> one conv in self.convs; pooling branch (i % 2 == 0 and i < len(convs)-1) never triggers
    h = jax.nn.relu(_graph_conv_mean(h, src, dst, W_rel2, b_rel2, W_root2))
    xs.append(jax.ops.segment_sum(h, batch, num_segments=NUM_GRAPHS))
    z = jnp.concatenate(xs, axis=-1)  # JumpingKnowledge(mode='cat')
    z = jax.nn.relu(z @ W1 + b1)
    # dropout: eval mode -> identity
    z = jax.nn.relu(z @ W2 + b2)
    z = z @ W3 + b3
    return jax.nn.log_softmax(z, axis=-1)

if __name__ == "__main__":
    import jax
    _d = setup_inputs()
    print(jax.jit(kernel)(*tuple(_d.values())))

</pallas_src>

<mosaic_0001>
#map = affine_map<(d0, d1) -> (0, 0)>
#map1 = affine_map<(d0, d1) -> (0)>
module attributes {stable_mosaic.version = 14 : i64} {
  func.func @_sc_agg_body(%arg0: i32, %arg1: i32, %arg2: memref<10240x128xf32, #tpu.memory_space<hbm>>, %arg3: memref<323584xi32, #tpu.memory_space<hbm>>, %arg4: memref<323584xi32, #tpu.memory_space<hbm>>, %arg5: memref<20480x128xf32, #tpu.memory_space<hbm>>, %arg6: memref<32x10240xf32, #tpu.memory_space<hbm>>, %arg7: memref<128xi32, #tpu.memory_space<vmem>>, %arg8: memref<128xi32, #tpu.memory_space<vmem>>, %arg9: memref<128x128xf32, #tpu.memory_space<vmem>>, %arg10: memref<64x128xf32, #tpu.memory_space<vmem>>, %arg11: memref<10240xf32, #tpu.memory_space<vmem>>, %arg12: memref<10240x128xf32, #tpu.memory_space<vmem_shared>>, %arg13: memref<!tpu.dma_semaphore, #tpu.memory_space<semaphore_mem>>) attributes {dimension_semantics = [#tpu.dimension_semantics<core_parallel>, #tpu.dimension_semantics<subcore_parallel>], iteration_bounds = array<i64: 2, 16>, scalar_prefetch = 0 : i64, scratch_operands = 7 : i64, tpu.core_type = #tpu.core_type<sc_vector_subcore>, window_params = [{transform_indices = #map}, {transform_indices = #map1}, {transform_indices = #map1}, {transform_indices = #map}, {transform_indices = #map}]} {
    %mul3A = arith.constant 16 : i32
    %mul3A_0 = arith.muli %arg0, %mul3A : i32
    %add3A = arith.addi %mul3A_0, %arg1 : i32
    %scan3A = arith.constant 0 : i32
    %scan3A_1 = arith.constant 0 : i32
    %scan3A_2 = arith.constant 64 : i32
    %scan3A_3 = arith.addi %scan3A_1, %scan3A_2 : i32
    %scan3A_4 = arith.constant 1 : i32
    scf.for %scan3A_83 = %scan3A_1 to %scan3A_3 step %scan3A_4  : i32 {
      %broadcast_in_dim3A_84 = arith.constant 0.000000e+00 : f32
      %broadcast_in_dim3A_85 = vector.broadcast %broadcast_in_dim3A_84 : f32 to vector<16xf32>
      %swap3A = arith.index_cast %scan3A_83 : i32 to index
      %swap3A_86 = arith.constant 0 : index
      %swap3A_87 = tpu.vector_load %arg10[%swap3A, %swap3A_86] {strides = array<i32>} : memref<64x128xf32, #tpu.memory_space<vmem>>, vector<16xf32>,
      tpu.vector_store %arg10[%swap3A, %swap3A_86], %broadcast_in_dim3A_85 {strides = array<i32>} : memref<64x128xf32, #tpu.memory_space<vmem>>, vector<16xf32>,
      %broadcast_in_dim3A_88 = arith.constant 0.000000e+00 : f32
      %broadcast_in_dim3A_89 = vector.broadcast %broadcast_in_dim3A_88 : f32 to vector<16xf32>
      %swap3A_90 = arith.index_cast %scan3A_83 : i32 to index
      %swap3A_91 = arith.constant 16 : index
      %swap3A_92 = tpu.vector_load %arg10[%swap3A_90, %swap3A_91] {strides = array<i32>} : memref<64x128xf32, #tpu.memory_space<vmem>>, vector<16xf32>,
      tpu.vector_store %arg10[%swap3A_90, %swap3A_91], %broadcast_in_dim3A_89 {strides = array<i32>} : memref<64x128xf32, #tpu.memory_space<vmem>>, vector<16xf32>,
      %broadcast_in_dim3A_93 = arith.constant 0.000000e+00 : f32
      %broadcast_in_dim3A_94 = vector.broadcast %broadcast_in_dim3A_93 : f32 to vector<16xf32>
      %swap3A_95 = arith.index_cast %scan3A_83 : i32 to index
      %swap3A_96 = arith.constant 32 : index
      %swap3A_97 = tpu.vector_load %arg10[%swap3A_95, %swap3A_96] {strides = array<i32>} : memref<64x128xf32, #tpu.memory_space<vmem>>, vector<16xf32>,
      tpu.vector_store %arg10[%swap3A_95, %swap3A_96], %broadcast_in_dim3A_94 {strides = array<i32>} : memref<64x128xf32, #tpu.memory_space<vmem>>, vector<16xf32>,
      %broadcast_in_dim3A_98 = arith.constant 0.000000e+00 : f32
      %broadcast_in_dim3A_99 = vector.broadcast %broadcast_in_dim3A_98 : f32 to vector<16xf32>
      %swap3A_100 = arith.index_cast %scan3A_83 : i32 to index
      %swap3A_101 = arith.constant 48 : index
      %swap3A_102 = tpu.vector_load %arg10[%swap3A_100, %swap3A_101] {strides = array<i32>} : memref<64x128xf32, #tpu.memory_space<vmem>>, vector<16xf32>,
      tpu.vector_store %arg10[%swap3A_100, %swap3A_101], %broadcast_in_dim3A_99 {strides = array<i32>} : memref<64x128xf32, #tpu.memory_space<vmem>>, vector<16xf32>,
      %broadcast_in_dim3A_103 = arith.constant 0.000000e+00 : f32
      %broadcast_in_dim3A_104 = vector.broadcast %broadcast_in_dim3A_103 : f32 to vector<16xf32>
      %swap3A_105 = arith.index_cast %scan3A_83 : i32 to index
      %swap3A_106 = arith.constant 64 : index
      %swap3A_107 = tpu.vector_load %arg10[%swap3A_105, %swap3A_106] {strides = array<i32>} : memref<64x128xf32, #tpu.memory_space<vmem>>, vector<16xf32>,
      tpu.vector_store %arg10[%swap3A_105, %swap3A_106], %broadcast_in_dim3A_104 {strides = array<i32>} : memref<64x128xf32, #tpu.memory_space<vmem>>, vector<16xf32>,
      %broadcast_in_dim3A_108 = arith.constant 0.000000e+00 : f32
      %broadcast_in_dim3A_109 = vector.broadcast %broadcast_in_dim3A_108 : f32 to vector<16xf32>
      %swap3A_110 = arith.index_cast %scan3A_83 : i32 to index
      %swap3A_111 = arith.constant 80 : index
      %swap3A_112 = tpu.vector_load %arg10[%swap3A_110, %swap3A_111] {strides = array<i32>} : memref<64x128xf32, #tpu.memory_space<vmem>>, vector<16xf32>,
      tpu.vector_store %arg10[%swap3A_110, %swap3A_111], %broadcast_in_dim3A_109 {strides = array<i32>} : memref<64x128xf32, #tpu.memory_space<vmem>>, vector<16xf32>,
      %broadcast_in_dim3A_113 = arith.constant 0.000000e+00 : f32
      %broadcast_in_dim3A_114 = vector.broadcast %broadcast_in_dim3A_113 : f32 to vector<16xf32>
      %swap3A_115 = arith.index_cast %scan3A_83 : i32 to index
      %swap3A_116 = arith.constant 96 : index
      %swap3A_117 = tpu.vector_load %arg10[%swap3A_115, %swap3A_116] {strides = array<i32>} : memref<64x128xf32, #tpu.memory_space<vmem>>, vector<16xf32>,
      tpu.vector_store %arg10[%swap3A_115, %swap3A_116], %broadcast_in_dim3A_114 {strides = array<i32>} : memref<64x128xf32, #tpu.memory_space<vmem>>, vector<16xf32>,
      %broadcast_in_dim3A_118 = arith.constant 0.000000e+00 : f32
      %broadcast_in_dim3A_119 = vector.broadcast %broadcast_in_dim3A_118 : f32 to vector<16xf32>
      %swap3A_120 = arith.index_cast %scan3A_83 : i32 to index
      %swap3A_121 = arith.constant 112 : index
      %swap3A_122 = tpu.vector_load %arg10[%swap3A_120, %swap3A_121] {strides = array<i32>} : memref<64x128xf32, #tpu.memory_space<vmem>>, vector<16xf32>,
      tpu.vector_store %arg10[%swap3A_120, %swap3A_121], %broadcast_in_dim3A_119 {strides = array<i32>} : memref<64x128xf32, #tpu.memory_space<vmem>>, vector<16xf32>,
    }
    %scan3A_5 = arith.constant 64 : i32
    %scan3A_6 = arith.constant 0 : i32
    %scan3A_7 = arith.constant 0 : i32
    %scan3A_8 = arith.constant 640 : i32
    %scan3A_9 = arith.addi %scan3A_7, %scan3A_8 : i32
    %scan3A_10 = arith.constant 1 : i32
    scf.for %scan3A_83 = %scan3A_7 to %scan3A_9 step %scan3A_10  : i32 {
      %broadcast_in_dim3A_84 = arith.constant 0.000000e+00 : f32
      %broadcast_in_dim3A_85 = vector.broadcast %broadcast_in_dim3A_84 : f32 to vector<16xf32>
      %mul3A_86 = arith.constant 16 : i32
      %mul3A_87 = arith.muli %scan3A_83, %mul3A_86 : i32
      %swap3A = arith.index_cast %mul3A_87 : i32 to index
      %swap3A_88 = tpu.vector_load %arg11[%swap3A] {strides = array<i32>} : memref<10240xf32, #tpu.memory_space<vmem>>, vector<16xf32>,
      tpu.vector_store %arg11[%swap3A], %broadcast_in_dim3A_85 {strides = array<i32>} : memref<10240xf32, #tpu.memory_space<vmem>>, vector<16xf32>,
    }
    %scan3A_11 = arith.constant 640 : i32
    %mul3A_12 = arith.constant 640 : i32
    %mul3A_13 = arith.muli %arg1, %mul3A_12 : i32
    %add3A_14 = arith.constant 0 : i32
    %add3A_15 = arith.addi %mul3A_13, %add3A_14 : i32
    "tpu.region"() ({
      %run_scoped3A = tpu.sem_alloc : memref<!tpu.dma_semaphore, #tpu.memory_space<semaphore_mem>>
      %dma_start3A = arith.constant 0 : i32
      %dma_start3A_83 = tpu.memref_slice %arg12[%add3A_15, %dma_start3A] : memref<10240x128xf32, #tpu.memory_space<vmem_shared>> -> memref<64x128xf32, #tpu.memory_space<vmem_shared>>
      %dma_start3A_84 = arith.constant 0 : i32
      %dma_start3A_85 = tpu.memref_slice %arg12[%add3A_15, %dma_start3A_84] : memref<10240x128xf32, #tpu.memory_space<vmem_shared>> -> memref<64x128xf32, #tpu.memory_space<vmem_shared>>
      tpu.enqueue_dma source(%arg10 : memref<64x128xf32, #tpu.memory_space<vmem>>) target(%dma_start3A_85 : memref<64x128xf32, #tpu.memory_space<vmem_shared>>) target_semaphore(%run_scoped3A : memref<!tpu.dma_semaphore, #tpu.memory_space<semaphore_mem>>)
      %dma_wait3A = arith.constant 0 : i32
      %dma_wait3A_86 = tpu.memref_slice %arg12[%add3A_15, %dma_wait3A] : memref<10240x128xf32, #tpu.memory_space<vmem_shared>> -> memref<64x128xf32, #tpu.memory_space<vmem_shared>>
      %dma_wait3A_87 = arith.constant 0 : i32
      %dma_wait3A_88 = tpu.memref_slice %arg12[%add3A_15, %dma_wait3A_87] : memref<10240x128xf32, #tpu.memory_space<vmem_shared>> -> memref<64x128xf32, #tpu.memory_space<vmem_shared>>
      tpu.wait_dma2 semaphore(%run_scoped3A : memref<!tpu.dma_semaphore, #tpu.memory_space<semaphore_mem>>) src(%arg10 : memref<64x128xf32, #tpu.memory_space<vmem>>) dst(%dma_wait3A_88 : memref<64x128xf32, #tpu.memory_space<vmem_shared>>)
      tpu.yield
    }) : () -> ()
    %mul3A_16 = arith.constant 640 : i32
    %mul3A_17 = arith.muli %arg1, %mul3A_16 : i32
    %add3A_18 = arith.constant 64 : i32
    %add3A_19 = arith.addi %mul3A_17, %add3A_18 : i32
    "tpu.region"() ({
      %run_scoped3A = tpu.sem_alloc : memref<!tpu.dma_semaphore, #tpu.memory_space<semaphore_mem>>
      %dma_start3A = arith.constant 0 : i32
      %dma_start3A_83 = tpu.memref_slice %arg12[%add3A_19, %dma_start3A] : memref<10240x128xf32, #tpu.memory_space<vmem_shared>> -> memref<64x128xf32, #tpu.memory_space<vmem_shared>>
      %dma_start3A_84 = arith.constant 0 : i32
      %dma_start3A_85 = tpu.memref_slice %arg12[%add3A_19, %dma_start3A_84] : memref<10240x128xf32, #tpu.memory_space<vmem_shared>> -> memref<64x128xf32, #tpu.memory_space<vmem_shared>>
      tpu.enqueue_dma source(%arg10 : memref<64x128xf32, #tpu.memory_space<vmem>>) target(%dma_start3A_85 : memref<64x128xf32, #tpu.memory_space<vmem_shared>>) target_semaphore(%run_scoped3A : memref<!tpu.dma_semaphore, #tpu.memory_space<semaphore_mem>>)
      %dma_wait3A = arith.constant 0 : i32
      %dma_wait3A_86 = tpu.memref_slice %arg12[%add3A_19, %dma_wait3A] : memref<10240x128xf32, #tpu.memory_space<vmem_shared>> -> memref<64x128xf32, #tpu.memory_space<vmem_shared>>
      %dma_wait3A_87 = arith.constant 0 : i32
      %dma_wait3A_88 = tpu.memref_slice %arg12[%add3A_19, %dma_wait3A_87] : memref<10240x128xf32, #tpu.memory_space<vmem_shared>> -> memref<64x128xf32, #tpu.memory_space<vmem_shared>>
      tpu.wait_dma2 semaphore(%run_scoped3A : memref<!tpu.dma_semaphore, #tpu.memory_space<semaphore_mem>>) src(%arg10 : memref<64x128xf32, #tpu.memory_space<vmem>>) dst(%dma_wait3A_88 : memref<64x128xf32, #tpu.memory_space<vmem_shared>>)
      tpu.yield
    }) : () -> ()
    %mul3A_20 = arith.constant 640 : i32
    %mul3A_21 = arith.muli %arg1, %mul3A_20 : i32
    %add3A_22 = arith.constant 128 : i32
    %add3A_23 = arith.addi %mul3A_21, %add3A_22 : i32
    "tpu.region"() ({
      %run_scoped3A = tpu.sem_alloc : memref<!tpu.dma_semaphore, #tpu.memory_space<semaphore_mem>>
      %dma_start3A = arith.constant 0 : i32
      %dma_start3A_83 = tpu.memref_slice %arg12[%add3A_23, %dma_start3A] : memref<10240x128xf32, #tpu.memory_space<vmem_shared>> -> memref<64x128xf32, #tpu.memory_space<vmem_shared>>
      %dma_start3A_84 = arith.constant 0 : i32
      %dma_start3A_85 = tpu.memref_slice %arg12[%add3A_23, %dma_start3A_84] : memref<10240x128xf32, #tpu.memory_space<vmem_shared>> -> memref<64x128xf32, #tpu.memory_space<vmem_shared>>
      tpu.enqueue_dma source(%arg10 : memref<64x128xf32, #tpu.memory_space<vmem>>) target(%dma_start3A_85 : memref<64x128xf32, #tpu.memory_space<vmem_shared>>) target_semaphore(%run_scoped3A : memref<!tpu.dma_semaphore, #tpu.memory_space<semaphore_mem>>)
      %dma_wait3A = arith.constant 0 : i32
      %dma_wait3A_86 = tpu.memref_slice %arg12[%add3A_23, %dma_wait3A] : memref<10240x128xf32, #tpu.memory_space<vmem_shared>> -> memref<64x128xf32, #tpu.memory_space<vmem_shared>>
      %dma_wait3A_87 = arith.constant 0 : i32
      %dma_wait3A_88 = tpu.memref_slice %arg12[%add3A_23, %dma_wait3A_87] : memref<10240x128xf32, #tpu.memory_space<vmem_shared>> -> memref<64x128xf32, #tpu.memory_space<vmem_shared>>
      tpu.wait_dma2 semaphore(%run_scoped3A : memref<!tpu.dma_semaphore, #tpu.memory_space<semaphore_mem>>) src(%arg10 : memref<64x128xf32, #tpu.memory_space<vmem>>) dst(%dma_wait3A_88 : memref<64x128xf32, #tpu.memory_space<vmem_shared>>)
      tpu.yield
    }) : () -> ()
    %mul3A_24 = arith.constant 640 : i32
    %mul3A_25 = arith.muli %arg1, %mul3A_24 : i32
    %add3A_26 = arith.constant 192 : i32
    %add3A_27 = arith.addi %mul3A_25, %add3A_26 : i32
    "tpu.region"() ({
      %run_scoped3A = tpu.sem_alloc : memref<!tpu.dma_semaphore, #tpu.memory_space<semaphore_mem>>
      %dma_start3A = arith.constant 0 : i32
      %dma_start3A_83 = tpu.memref_slice %arg12[%add3A_27, %dma_start3A] : memref<10240x128xf32, #tpu.memory_space<vmem_shared>> -> memref<64x128xf32, #tpu.memory_space<vmem_shared>>
      %dma_start3A_84 = arith.constant 0 : i32
      %dma_start3A_85 = tpu.memref_slice %arg12[%add3A_27, %dma_start3A_84] : memref<10240x128xf32, #tpu.memory_space<vmem_shared>> -> memref<64x128xf32, #tpu.memory_space<vmem_shared>>
      tpu.enqueue_dma source(%arg10 : memref<64x128xf32, #tpu.memory_space<vmem>>) target(%dma_start3A_85 : memref<64x128xf32, #tpu.memory_space<vmem_shared>>) target_semaphore(%run_scoped3A : memref<!tpu.dma_semaphore, #tpu.memory_space<semaphore_mem>>)
      %dma_wait3A = arith.constant 0 : i32
      %dma_wait3A_86 = tpu.memref_slice %arg12[%add3A_27, %dma_wait3A] : memref<10240x128xf32, #tpu.memory_space<vmem_shared>> -> memref<64x128xf32, #tpu.memory_space<vmem_shared>>
      %dma_wait3A_87 = arith.constant 0 : i32
      %dma_wait3A_88 = tpu.memref_slice %arg12[%add3A_27, %dma_wait3A_87] : memref<10240x128xf32, #tpu.memory_space<vmem_shared>> -> memref<64x128xf32, #tpu.memory_space<vmem_shared>>
      tpu.wait_dma2 semaphore(%run_scoped3A : memref<!tpu.dma_semaphore, #tpu.memory_space<semaphore_mem>>) src(%arg10 : memref<64x128xf32, #tpu.memory_space<vmem>>) dst(%dma_wait3A_88 : memref<64x128xf32, #tpu.memory_space<vmem_shared>>)
      tpu.yield
    }) : () -> ()
    %mul3A_28 = arith.constant 640 : i32
    %mul3A_29 = arith.muli %arg1, %mul3A_28 : i32
    %add3A_30 = arith.constant 256 : i32
    %add3A_31 = arith.addi %mul3A_29, %add3A_30 : i32
    "tpu.region"() ({
      %run_scoped3A = tpu.sem_alloc : memref<!tpu.dma_semaphore, #tpu.memory_space<semaphore_mem>>
      %dma_start3A = arith.constant 0 : i32
      %dma_start3A_83 = tpu.memref_slice %arg12[%add3A_31, %dma_start3A] : memref<10240x128xf32, #tpu.memory_space<vmem_shared>> -> memref<64x128xf32, #tpu.memory_space<vmem_shared>>
      %dma_start3A_84 = arith.constant 0 : i32
      %dma_start3A_85 = tpu.memref_slice %arg12[%add3A_31, %dma_start3A_84] : memref<10240x128xf32, #tpu.memory_space<vmem_shared>> -> memref<64x128xf32, #tpu.memory_space<vmem_shared>>
      tpu.enqueue_dma source(%arg10 : memref<64x128xf32, #tpu.memory_space<vmem>>) target(%dma_start3A_85 : memref<64x128xf32, #tpu.memory_space<vmem_shared>>) target_semaphore(%run_scoped3A : memref<!tpu.dma_semaphore, #tpu.memory_space<semaphore_mem>>)
      %dma_wait3A = arith.constant 0 : i32
      %dma_wait3A_86 = tpu.memref_slice %arg12[%add3A_31, %dma_wait3A] : memref<10240x128xf32, #tpu.memory_space<vmem_shared>> -> memref<64x128xf32, #tpu.memory_space<vmem_shared>>
      %dma_wait3A_87 = arith.constant 0 : i32
      %dma_wait3A_88 = tpu.memref_slice %arg12[%add3A_31, %dma_wait3A_87] : memref<10240x128xf32, #tpu.memory_space<vmem_shared>> -> memref<64x128xf32, #tpu.memory_space<vmem_shared>>
      tpu.wait_dma2 semaphore(%run_scoped3A : memref<!tpu.dma_semaphore, #tpu.memory_space<semaphore_mem>>) src(%arg10 : memref<64x128xf32, #tpu.memory_space<vmem>>) dst(%dma_wait3A_88 : memref<64x128xf32, #tpu.memory_space<vmem_shared>>)
      tpu.yield
    }) : () -> ()
    %mul3A_32 = arith.constant 640 : i32
    %mul3A_33 = arith.muli %arg1, %mul3A_32 : i32
    %add3A_34 = arith.constant 320 : i32
    %add3A_35 = arith.addi %mul3A_33, %add3A_34 : i32
    "tpu.region"() ({
      %run_scoped3A = tpu.sem_alloc : memref<!tpu.dma_semaphore, #tpu.memory_space<semaphore_mem>>
      %dma_start3A = arith.constant 0 : i32
      %dma_start3A_83 = tpu.memref_slice %arg12[%add3A_35, %dma_start3A] : memref<10240x128xf32, #tpu.memory_space<vmem_shared>> -> memref<64x128xf32, #tpu.memory_space<vmem_shared>>
      %dma_start3A_84 = arith.constant 0 : i32
      %dma_start3A_85 = tpu.memref_slice %arg12[%add3A_35, %dma_start3A_84] : memref<10240x128xf32, #tpu.memory_space<vmem_shared>> -> memref<64x128xf32, #tpu.memory_space<vmem_shared>>
      tpu.enqueue_dma source(%arg10 : memref<64x128xf32, #tpu.memory_space<vmem>>) target(%dma_start3A_85 : memref<64x128xf32, #tpu.memory_space<vmem_shared>>) target_semaphore(%run_scoped3A : memref<!tpu.dma_semaphore, #tpu.memory_space<semaphore_mem>>)
      %dma_wait3A = arith.constant 0 : i32
      %dma_wait3A_86 = tpu.memref_slice %arg12[%add3A_35, %dma_wait3A] : memref<10240x128xf32, #tpu.memory_space<vmem_shared>> -> memref<64x128xf32, #tpu.memory_space<vmem_shared>>
      %dma_wait3A_87 = arith.constant 0 : i32
      %dma_wait3A_88 = tpu.memref_slice %arg12[%add3A_35, %dma_wait3A_87] : memref<10240x128xf32, #tpu.memory_space<vmem_shared>> -> memref<64x128xf32, #tpu.memory_space<vmem_shared>>
      tpu.wait_dma2 semaphore(%run_scoped3A : memref<!tpu.dma_semaphore, #tpu.memory_space<semaphore_mem>>) src(%arg10 : memref<64x128xf32, #tpu.memory_space<vmem>>) dst(%dma_wait3A_88 : memref<64x128xf32, #tpu.memory_space<vmem_shared>>)
      tpu.yield
    }) : () -> ()
    %mul3A_36 = arith.constant 640 : i32
    %mul3A_37 = arith.muli %arg1, %mul3A_36 : i32
    %add3A_38 = arith.constant 384 : i32
    %add3A_39 = arith.addi %mul3A_37, %add3A_38 : i32
    "tpu.region"() ({
      %run_scoped3A = tpu.sem_alloc : memref<!tpu.dma_semaphore, #tpu.memory_space<semaphore_mem>>
      %dma_start3A = arith.constant 0 : i32
      %dma_start3A_83 = tpu.memref_slice %arg12[%add3A_39, %dma_start3A] : memref<10240x128xf32, #tpu.memory_space<vmem_shared>> -> memref<64x128xf32, #tpu.memory_space<vmem_shared>>
      %dma_start3A_84 = arith.constant 0 : i32
      %dma_start3A_85 = tpu.memref_slice %arg12[%add3A_39, %dma_start3A_84] : memref<10240x128xf32, #tpu.memory_space<vmem_shared>> -> memref<64x128xf32, #tpu.memory_space<vmem_shared>>
      tpu.enqueue_dma source(%arg10 : memref<64x128xf32, #tpu.memory_space<vmem>>) target(%dma_start3A_85 : memref<64x128xf32, #tpu.memory_space<vmem_shared>>) target_semaphore(%run_scoped3A : memref<!tpu.dma_semaphore, #tpu.memory_space<semaphore_mem>>)
      %dma_wait3A = arith.constant 0 : i32
      %dma_wait3A_86 = tpu.memref_slice %arg12[%add3A_39, %dma_wait3A] : memref<10240x128xf32, #tpu.memory_space<vmem_shared>> -> memref<64x128xf32, #tpu.memory_space<vmem_shared>>
      %dma_wait3A_87 = arith.constant 0 : i32
      %dma_wait3A_88 = tpu.memref_slice %arg12[%add3A_39, %dma_wait3A_87] : memref<10240x128xf32, #tpu.memory_space<vmem_shared>> -> memref<64x128xf32, #tpu.memory_space<vmem_shared>>
      tpu.wait_dma2 semaphore(%run_scoped3A : memref<!tpu.dma_semaphore, #tpu.memory_space<semaphore_mem>>) src(%arg10 : memref<64x128xf32, #tpu.memory_space<vmem>>) dst(%dma_wait3A_88 : memref<64x128xf32, #tpu.memory_space<vmem_shared>>)
      tpu.yield
    }) : () -> ()
    %mul3A_40 = arith.constant 640 : i32
    %mul3A_41 = arith.muli %arg1, %mul3A_40 : i32
    %add3A_42 = arith.constant 448 : i32
    %add3A_43 = arith.addi %mul3A_41, %add3A_42 : i32
    "tpu.region"() ({
      %run_scoped3A = tpu.sem_alloc : memref<!tpu.dma_semaphore, #tpu.memory_space<semaphore_mem>>
      %dma_start3A = arith.constant 0 : i32
      %dma_start3A_83 = tpu.memref_slice %arg12[%add3A_43, %dma_start3A] : memref<10240x128xf32, #tpu.memory_space<vmem_shared>> -> memref<64x128xf32, #tpu.memory_space<vmem_shared>>
      %dma_start3A_84 = arith.constant 0 : i32
      %dma_start3A_85 = tpu.memref_slice %arg12[%add3A_43, %dma_start3A_84] : memref<10240x128xf32, #tpu.memory_space<vmem_shared>> -> memref<64x128xf32, #tpu.memory_space<vmem_shared>>
      tpu.enqueue_dma source(%arg10 : memref<64x128xf32, #tpu.memory_space<vmem>>) target(%dma_start3A_85 : memref<64x128xf32, #tpu.memory_space<vmem_shared>>) target_semaphore(%run_scoped3A : memref<!tpu.dma_semaphore, #tpu.memory_space<semaphore_mem>>)
      %dma_wait3A = arith.constant 0 : i32
      %dma_wait3A_86 = tpu.memref_slice %arg12[%add3A_43, %dma_wait3A] : memref<10240x128xf32, #tpu.memory_space<vmem_shared>> -> memref<64x128xf32, #tpu.memory_space<vmem_shared>>
      %dma_wait3A_87 = arith.constant 0 : i32
      %dma_wait3A_88 = tpu.memref_slice %arg12[%add3A_43, %dma_wait3A_87] : memref<10240x128xf32, #tpu.memory_space<vmem_shared>> -> memref<64x128xf32, #tpu.memory_space<vmem_shared>>
      tpu.wait_dma2 semaphore(%run_scoped3A : memref<!tpu.dma_semaphore, #tpu.memory_space<semaphore_mem>>) src(%arg10 : memref<64x128xf32, #tpu.memory_space<vmem>>) dst(%dma_wait3A_88 : memref<64x128xf32, #tpu.memory_space<vmem_shared>>)
      tpu.yield
    }) : () -> ()
    %mul3A_44 = arith.constant 640 : i32
    %mul3A_45 = arith.muli %arg1, %mul3A_44 : i32
    %add3A_46 = arith.constant 512 : i32
    %add3A_47 = arith.addi %mul3A_45, %add3A_46 : i32
    "tpu.region"() ({
      %run_scoped3A = tpu.sem_alloc : memref<!tpu.dma_semaphore, #tpu.memory_space<semaphore_mem>>
      %dma_start3A = arith.constant 0 : i32
      %dma_start3A_83 = tpu.memref_slice %arg12[%add3A_47, %dma_start3A] : memref<10240x128xf32, #tpu.memory_space<vmem_shared>> -> memref<64x128xf32, #tpu.memory_space<vmem_shared>>
      %dma_start3A_84 = arith.constant 0 : i32
      %dma_start3A_85 = tpu.memref_slice %arg12[%add3A_47, %dma_start3A_84] : memref<10240x128xf32, #tpu.memory_space<vmem_shared>> -> memref<64x128xf32, #tpu.memory_space<vmem_shared>>
      tpu.enqueue_dma source(%arg10 : memref<64x128xf32, #tpu.memory_space<vmem>>) target(%dma_start3A_85 : memref<64x128xf32, #tpu.memory_space<vmem_shared>>) target_semaphore(%run_scoped3A : memref<!tpu.dma_semaphore, #tpu.memory_space<semaphore_mem>>)
      %dma_wait3A = arith.constant 0 : i32
      %dma_wait3A_86 = tpu.memref_slice %arg12[%add3A_47, %dma_wait3A] : memref<10240x128xf32, #tpu.memory_space<vmem_shared>> -> memref<64x128xf32, #tpu.memory_space<vmem_shared>>
      %dma_wait3A_87 = arith.constant 0 : i32
      %dma_wait3A_88 = tpu.memref_slice %arg12[%add3A_47, %dma_wait3A_87] : memref<10240x128xf32, #tpu.memory_space<vmem_shared>> -> memref<64x128xf32, #tpu.memory_space<vmem_shared>>
      tpu.wait_dma2 semaphore(%run_scoped3A : memref<!tpu.dma_semaphore, #tpu.memory_space<semaphore_mem>>) src(%arg10 : memref<64x128xf32, #tpu.memory_space<vmem>>) dst(%dma_wait3A_88 : memref<64x128xf32, #tpu.memory_space<vmem_shared>>)
      tpu.yield
    }) : () -> ()
    %mul3A_48 = arith.constant 640 : i32
    %mul3A_49 = arith.muli %arg1, %mul3A_48 : i32
    %add3A_50 = arith.constant 576 : i32
    %add3A_51 = arith.addi %mul3A_49, %add3A_50 : i32
    "tpu.region"() ({
      %run_scoped3A = tpu.sem_alloc : memref<!tpu.dma_semaphore, #tpu.memory_space<semaphore_mem>>
      %dma_start3A = arith.constant 0 : i32
      %dma_start3A_83 = tpu.memref_slice %arg12[%add3A_51, %dma_start3A] : memref<10240x128xf32, #tpu.memory_space<vmem_shared>> -> memref<64x128xf32, #tpu.memory_space<vmem_shared>>
      %dma_start3A_84 = arith.constant 0 : i32
      %dma_start3A_85 = tpu.memref_slice %arg12[%add3A_51, %dma_start3A_84] : memref<10240x128xf32, #tpu.memory_space<vmem_shared>> -> memref<64x128xf32, #tpu.memory_space<vmem_shared>>
      tpu.enqueue_dma source(%arg10 : memref<64x128xf32, #tpu.memory_space<vmem>>) target(%dma_start3A_85 : memref<64x128xf32, #tpu.memory_space<vmem_shared>>) target_semaphore(%run_scoped3A : memref<!tpu.dma_semaphore, #tpu.memory_space<semaphore_mem>>)
      %dma_wait3A = arith.constant 0 : i32
      %dma_wait3A_86 = tpu.memref_slice %arg12[%add3A_51, %dma_wait3A] : memref<10240x128xf32, #tpu.memory_space<vmem_shared>> -> memref<64x128xf32, #tpu.memory_space<vmem_shared>>
      %dma_wait3A_87 = arith.constant 0 : i32
      %dma_wait3A_88 = tpu.memref_slice %arg12[%add3A_51, %dma_wait3A_87] : memref<10240x128xf32, #tpu.memory_space<vmem_shared>> -> memref<64x128xf32, #tpu.memory_space<vmem_shared>>
      tpu.wait_dma2 semaphore(%run_scoped3A : memref<!tpu.dma_semaphore, #tpu.memory_space<semaphore_mem>>) src(%arg10 : memref<64x128xf32, #tpu.memory_space<vmem>>) dst(%dma_wait3A_88 : memref<64x128xf32, #tpu.memory_space<vmem_shared>>)
      tpu.yield
    }) : () -> ()
    %barrier3A = arith.constant 0 : index
    tpu.barrier barrier_id(%barrier3A)
    %broadcast_in_dim3A = arith.constant 1.000000e+00 : f32
    %broadcast_in_dim3A_52 = vector.broadcast %broadcast_in_dim3A : f32 to vector<16xf32>
    %eq3A = arith.constant 0 : i32
    %eq3A_53 = arith.cmpi eq, %arg0, %eq3A : i32
    %mul3A_54 = arith.constant 105 : i32
    %mul3A_55 = arith.muli %arg1, %mul3A_54 : i32
    %mul3A_56 = arith.constant 53 : i32
    %mul3A_57 = arith.muli %arg1, %mul3A_56 : i32
    %add3A_58 = arith.constant 1680 : i32
    %add3A_59 = arith.addi %add3A_58, %mul3A_57 : i32
    %select_n3A = arith.select %eq3A_53, %mul3A_55, %add3A_59 : i32
    %mul3A_60 = arith.constant 128 : i32
    %mul3A_61 = arith.muli %select_n3A, %mul3A_60 : i32
    %eq3A_62 = arith.constant 0 : i32
    %eq3A_63 = arith.cmpi eq, %arg0, %eq3A_62 : i32
    %jit3A = arith.constant 105 : i32
    %jit3A_64 = arith.constant 53 : i32
    %select_n3A_65 = arith.select %eq3A_63, %jit3A, %jit3A_64 : i32
    %while3A = arith.constant 0 : i32
    %while3A_66 = arith.constant 0 : i32
    %while3A_67 = arith.subi %select_n3A_65, %while3A_66 : i32
    %while3A_68 = arith.addi %while3A_66, %while3A_67 : i32
    %while3A_69 = arith.constant 1 : i32
    %while3A_70 = arith.divsi %while3A_67, %while3A_69 : i32
    %while3A_71 = arith.muli %while3A_70, %while3A_69 : i32
    %while3A_72 = arith.addi %while3A_66, %while3A_71 : i32
    %while3A_73 = arith.constant 1 : i32
    scf.for %while3A_83 = %while3A_66 to %while3A_72 step %while3A_73  : i32 {
      %mul3A_84 = arith.constant 128 : i32
      %mul3A_85 = arith.muli %while3A_83, %mul3A_84 : i32
      %add3A_86 = arith.addi %mul3A_61, %mul3A_85 : i32
      "tpu.region"() ({
        %run_scoped3A = tpu.sem_alloc : memref<!tpu.dma_semaphore, #tpu.memory_space<semaphore_mem>>
        %dma_start3A_106 = tpu.memref_slice %arg3[%add3A_86] : memref<323584xi32, #tpu.memory_space<hbm>> -> memref<128xi32, #tpu.memory_space<hbm>>
        %dma_start3A_107 = tpu.memref_slice %arg3[%add3A_86] : memref<323584xi32, #tpu.memory_space<hbm>> -> memref<128xi32, #tpu.memory_space<hbm>>
        tpu.enqueue_dma source(%dma_start3A_107 : memref<128xi32, #tpu.memory_space<hbm>>) target(%arg7 : memref<128xi32, #tpu.memory_space<vmem>>) target_semaphore(%run_scoped3A : memref<!tpu.dma_semaphore, #tpu.memory_space<semaphore_mem>>)
        %dma_wait3A_108 = tpu.memref_slice %arg3[%add3A_86] : memref<323584xi32, #tpu.memory_space<hbm>> -> memref<128xi32, #tpu.memory_space<hbm>>
        %dma_wait3A_109 = tpu.memref_slice %arg3[%add3A_86] : memref<323584xi32, #tpu.memory_space<hbm>> -> memref<128xi32, #tpu.memory_space<hbm>>
        tpu.wait_dma2 semaphore(%run_scoped3A : memref<!tpu.dma_semaphore, #tpu.memory_space<semaphore_mem>>) src(%dma_wait3A_109 : memref<128xi32, #tpu.memory_space<hbm>>) dst(%arg7 : memref<128xi32, #tpu.memory_space<vmem>>)
        tpu.yield
      }) : () -> ()
      "tpu.region"() ({
        %run_scoped3A = tpu.sem_alloc : memref<!tpu.dma_semaphore, #tpu.memory_space<semaphore_mem>>
        %dma_start3A_106 = tpu.memref_slice %arg4[%add3A_86] : memref<323584xi32, #tpu.memory_space<hbm>> -> memref<128xi32, #tpu.memory_space<hbm>>
        %dma_start3A_107 = tpu.memref_slice %arg4[%add3A_86] : memref<323584xi32, #tpu.memory_space<hbm>> -> memref<128xi32, #tpu.memory_space<hbm>>
        tpu.enqueue_dma source(%dma_start3A_107 : memref<128xi32, #tpu.memory_space<hbm>>) target(%arg8 : memref<128xi32, #tpu.memory_space<vmem>>) target_semaphore(%run_scoped3A : memref<!tpu.dma_semaphore, #tpu.memory_space<semaphore_mem>>)
        %dma_wait3A_108 = tpu.memref_slice %arg4[%add3A_86] : memref<323584xi32, #tpu.memory_space<hbm>> -> memref<128xi32, #tpu.memory_space<hbm>>
        %dma_wait3A_109 = tpu.memref_slice %arg4[%add3A_86] : memref<323584xi32, #tpu.memory_space<hbm>> -> memref<128xi32, #tpu.memory_space<hbm>>
        tpu.wait_dma2 semaphore(%run_scoped3A : memref<!tpu.dma_semaphore, #tpu.memory_space<semaphore_mem>>) src(%dma_wait3A_109 : memref<128xi32, #tpu.memory_space<hbm>>) dst(%arg8 : memref<128xi32, #tpu.memory_space<vmem>>)
        tpu.yield
      }) : () -> ()
      %dma_start3A = arith.constant 0 : i32
      %dma_start3A_87 = arith.constant 0 : i32
      %dma_start3A_88 = tpu.memref_slice %arg2[%dma_start3A, %dma_start3A_87] : memref<10240x128xf32, #tpu.memory_space<hbm>> -> memref<10240x128xf32, #tpu.memory_space<hbm>>
      tpu.enqueue_indirect_dma source(%dma_start3A_88 : memref<10240x128xf32, #tpu.memory_space<hbm>>) target(%arg9 : memref<128x128xf32, #tpu.memory_space<vmem>>) offsets(%arg7 : memref<128xi32, #tpu.memory_space<vmem>>) semaphore(%arg13 : memref<!tpu.dma_semaphore, #tpu.memory_space<semaphore_mem>>)
      %dma_wait3A = arith.constant 0 : i32
      %dma_wait3A_89 = arith.constant 0 : i32
      %dma_wait3A_90 = tpu.memref_slice %arg2[%dma_wait3A, %dma_wait3A_89] : memref<10240x128xf32, #tpu.memory_space<hbm>> -> memref<10240x128xf32, #tpu.memory_space<hbm>>
      tpu.wait_indirect_dma semaphore(%arg13 : memref<!tpu.dma_semaphore, #tpu.memory_space<semaphore_mem>>) src(%dma_wait3A_90 : memref<10240x128xf32, #tpu.memory_space<hbm>>) dst(%arg9 : memref<128x128xf32, #tpu.memory_space<vmem>>)
      "tpu.region"() ({
        %run_scoped3A = tpu.sem_alloc : memref<!tpu.dma_semaphore, #tpu.memory_space<semaphore_mem>>
        %dma_start3A_106 = arith.constant 0 : i32
        %dma_start3A_107 = arith.constant 0 : i32
        %dma_start3A_108 = tpu.memref_slice %arg12[%dma_start3A_106, %dma_start3A_107] : memref<10240x128xf32, #tpu.memory_space<vmem_shared>> -> memref<10240x128xf32, #tpu.memory_space<vmem_shared>>
        tpu.enqueue_indirect_dma source(%arg9 : memref<128x128xf32, #tpu.memory_space<vmem>>) target(%dma_start3A_108 : memref<10240x128xf32, #tpu.memory_space<vmem_shared>>) offsets(%arg8 : memref<128xi32, #tpu.memory_space<vmem>>) semaphore(%run_scoped3A : memref<!tpu.dma_semaphore, #tpu.memory_space<semaphore_mem>>) {add = true}
        %dma_wait3A_109 = arith.constant 0 : i32
        %dma_wait3A_110 = arith.constant 0 : i32
        %dma_wait3A_111 = tpu.memref_slice %arg12[%dma_wait3A_109, %dma_wait3A_110] : memref<10240x128xf32, #tpu.memory_space<vmem_shared>> -> memref<10240x128xf32, #tpu.memory_space<vmem_shared>>
        tpu.wait_indirect_dma semaphore(%run_scoped3A : memref<!tpu.dma_semaphore, #tpu.memory_space<semaphore_mem>>) src(%arg9 : memref<128x128xf32, #tpu.memory_space<vmem>>) dst(%dma_wait3A_111 : memref<10240x128xf32, #tpu.memory_space<vmem_shared>>)
        tpu.yield
      }) : () -> ()
      %get3A = arith.constant 0 : index
      %get3A_91 = tpu.vector_load %arg8[%get3A] {strides = array<i32>} : memref<128xi32, #tpu.memory_space<vmem>>, vector<16xi32>,
      tpu.vector_store_idx %arg11[%get3A_91], %broadcast_in_dim3A_52 {add = true} : memref<10240xf32, #tpu.memory_space<vmem>>[vector<16xi32>], vector<16xf32>,
      %get3A_92 = arith.constant 16 : index
      %get3A_93 = tpu.vector_load %arg8[%get3A_92] {strides = array<i32>} : memref<128xi32, #tpu.memory_space<vmem>>, vector<16xi32>,
      tpu.vector_store_idx %arg11[%get3A_93], %broadcast_in_dim3A_52 {add = true} : memref<10240xf32, #tpu.memory_space<vmem>>[vector<16xi32>], vector<16xf32>,
      %get3A_94 = arith.constant 32 : index
      %get3A_95 = tpu.vector_load %arg8[%get3A_94] {strides = array<i32>} : memref<128xi32, #tpu.memory_space<vmem>>, vector<16xi32>,
      tpu.vector_store_idx %arg11[%get3A_95], %broadcast_in_dim3A_52 {add = true} : memref<10240xf32, #tpu.memory_space<vmem>>[vector<16xi32>], vector<16xf32>,
      %get3A_96 = arith.constant 48 : index
      %get3A_97 = tpu.vector_load %arg8[%get3A_96] {strides = array<i32>} : memref<128xi32, #tpu.memory_space<vmem>>, vector<16xi32>,
      tpu.vector_store_idx %arg11[%get3A_97], %broadcast_in_dim3A_52 {add = true} : memref<10240xf32, #tpu.memory_space<vmem>>[vector<16xi32>], vector<16xf32>,
      %get3A_98 = arith.constant 64 : index
      %get3A_99 = tpu.vector_load %arg8[%get3A_98] {strides = array<i32>} : memref<128xi32, #tpu.memory_space<vmem>>, vector<16xi32>,
      tpu.vector_store_idx %arg11[%get3A_99], %broadcast_in_dim3A_52 {add = true} : memref<10240xf32, #tpu.memory_space<vmem>>[vector<16xi32>], vector<16xf32>,
      %get3A_100 = arith.constant 80 : index
      %get3A_101 = tpu.vector_load %arg8[%get3A_100] {strides = array<i32>} : memref<128xi32, #tpu.memory_space<vmem>>, vector<16xi32>,
      tpu.vector_store_idx %arg11[%get3A_101], %broadcast_in_dim3A_52 {add = true} : memref<10240xf32, #tpu.memory_space<vmem>>[vector<16xi32>], vector<16xf32>,
      %get3A_102 = arith.constant 96 : index
      %get3A_103 = tpu.vector_load %arg8[%get3A_102] {strides = array<i32>} : memref<128xi32, #tpu.memory_space<vmem>>, vector<16xi32>,
      tpu.vector_store_idx %arg11[%get3A_103], %broadcast_in_dim3A_52 {add = true} : memref<10240xf32, #tpu.memory_space<vmem>>[vector<16xi32>], vector<16xf32>,
      %get3A_104 = arith.constant 112 : index
      %get3A_105 = tpu.vector_load %arg8[%get3A_104] {strides = array<i32>} : memref<128xi32, #tpu.memory_space<vmem>>, vector<16xi32>,
      tpu.vector_store_idx %arg11[%get3A_105], %broadcast_in_dim3A_52 {add = true} : memref<10240xf32, #tpu.memory_space<vmem>>[vector<16xi32>], vector<16xf32>,
    }
    %while3A_74 = arith.constant 1 : i32
    scf.for %while3A_83 = %while3A_72 to %while3A_68 step %while3A_74  : i32 {
      %mul3A_84 = arith.constant 128 : i32
      %mul3A_85 = arith.muli %while3A_83, %mul3A_84 : i32
      %add3A_86 = arith.addi %mul3A_61, %mul3A_85 : i32
      "tpu.region"() ({
        %run_scoped3A = tpu.sem_alloc : memref<!tpu.dma_semaphore, #tpu.memory_space<semaphore_mem>>
        %dma_start3A_106 = tpu.memref_slice %arg3[%add3A_86] : memref<323584xi32, #tpu.memory_space<hbm>> -> memref<128xi32, #tpu.memory_space<hbm>>
        %dma_start3A_107 = tpu.memref_slice %arg3[%add3A_86] : memref<323584xi32, #tpu.memory_space<hbm>> -> memref<128xi32, #tpu.memory_space<hbm>>
        tpu.enqueue_dma source(%dma_start3A_107 : memref<128xi32, #tpu.memory_space<hbm>>) target(%arg7 : memref<128xi32, #tpu.memory_space<vmem>>) target_semaphore(%run_scoped3A : memref<!tpu.dma_semaphore, #tpu.memory_space<semaphore_mem>>)
        %dma_wait3A_108 = tpu.memref_slice %arg3[%add3A_86] : memref<323584xi32, #tpu.memory_space<hbm>> -> memref<128xi32, #tpu.memory_space<hbm>>
        %dma_wait3A_109 = tpu.memref_slice %arg3[%add3A_86] : memref<323584xi32, #tpu.memory_space<hbm>> -> memref<128xi32, #tpu.memory_space<hbm>>
        tpu.wait_dma2 semaphore(%run_scoped3A : memref<!tpu.dma_semaphore, #tpu.memory_space<semaphore_mem>>) src(%dma_wait3A_109 : memref<128xi32, #tpu.memory_space<hbm>>) dst(%arg7 : memref<128xi32, #tpu.memory_space<vmem>>)
        tpu.yield
      }) : () -> ()
      "tpu.region"() ({
        %run_scoped3A = tpu.sem_alloc : memref<!tpu.dma_semaphore, #tpu.memory_space<semaphore_mem>>
        %dma_start3A_106 = tpu.memref_slice %arg4[%add3A_86] : memref<323584xi32, #tpu.memory_space<hbm>> -> memref<128xi32, #tpu.memory_space<hbm>>
        %dma_start3A_107 = tpu.memref_slice %arg4[%add3A_86] : memref<323584xi32, #tpu.memory_space<hbm>> -> memref<128xi32, #tpu.memory_space<hbm>>
        tpu.enqueue_dma source(%dma_start3A_107 : memref<128xi32, #tpu.memory_space<hbm>>) target(%arg8 : memref<128xi32, #tpu.memory_space<vmem>>) target_semaphore(%run_scoped3A : memref<!tpu.dma_semaphore, #tpu.memory_space<semaphore_mem>>)
        %dma_wait3A_108 = tpu.memref_slice %arg4[%add3A_86] : memref<323584xi32, #tpu.memory_space<hbm>> -> memref<128xi32, #tpu.memory_space<hbm>>
        %dma_wait3A_109 = tpu.memref_slice %arg4[%add3A_86] : memref<323584xi32, #tpu.memory_space<hbm>> -> memref<128xi32, #tpu.memory_space<hbm>>
        tpu.wait_dma2 semaphore(%run_scoped3A : memref<!tpu.dma_semaphore, #tpu.memory_space<semaphore_mem>>) src(%dma_wait3A_109 : memref<128xi32, #tpu.memory_space<hbm>>) dst(%arg8 : memref<128xi32, #tpu.memory_space<vmem>>)
        tpu.yield
      }) : () -> ()
      %dma_start3A = arith.constant 0 : i32
      %dma_start3A_87 = arith.constant 0 : i32
      %dma_start3A_88 = tpu.memref_slice %arg2[%dma_start3A, %dma_start3A_87] : memref<10240x128xf32, #tpu.memory_space<hbm>> -> memref<10240x128xf32, #tpu.memory_space<hbm>>
      tpu.enqueue_indirect_dma source(%dma_start3A_88 : memref<10240x128xf32, #tpu.memory_space<hbm>>) target(%arg9 : memref<128x128xf32, #tpu.memory_space<vmem>>) offsets(%arg7 : memref<128xi32, #tpu.memory_space<vmem>>) semaphore(%arg13 : memref<!tpu.dma_semaphore, #tpu.memory_space<semaphore_mem>>)
      %dma_wait3A = arith.constant 0 : i32
      %dma_wait3A_89 = arith.constant 0 : i32
      %dma_wait3A_90 = tpu.memref_slice %arg2[%dma_wait3A, %dma_wait3A_89] : memref<10240x128xf32, #tpu.memory_space<hbm>> -> memref<10240x128xf32, #tpu.memory_space<hbm>>
      tpu.wait_indirect_dma semaphore(%arg13 : memref<!tpu.dma_semaphore, #tpu.memory_space<semaphore_mem>>) src(%dma_wait3A_90 : memref<10240x128xf32, #tpu.memory_space<hbm>>) dst(%arg9 : memref<128x128xf32, #tpu.memory_space<vmem>>)
      "tpu.region"() ({
        %run_scoped3A = tpu.sem_alloc : memref<!tpu.dma_semaphore, #tpu.memory_space<semaphore_mem>>
        %dma_start3A_106 = arith.constant 0 : i32
        %dma_start3A_107 = arith.constant 0 : i32
        %dma_start3A_108 = tpu.memref_slice %arg12[%dma_start3A_106, %dma_start3A_107] : memref<10240x128xf32, #tpu.memory_space<vmem_shared>> -> memref<10240x128xf32, #tpu.memory_space<vmem_shared>>
        tpu.enqueue_indirect_dma source(%arg9 : memref<128x128xf32, #tpu.memory_space<vmem>>) target(%dma_start3A_108 : memref<10240x128xf32, #tpu.memory_space<vmem_shared>>) offsets(%arg8 : memref<128xi32, #tpu.memory_space<vmem>>) semaphore(%run_scoped3A : memref<!tpu.dma_semaphore, #tpu.memory_space<semaphore_mem>>) {add = true}
        %dma_wait3A_109 = arith.constant 0 : i32
        %dma_wait3A_110 = arith.constant 0 : i32
        %dma_wait3A_111 = tpu.memref_slice %arg12[%dma_wait3A_109, %dma_wait3A_110] : memref<10240x128xf32, #tpu.memory_space<vmem_shared>> -> memref<10240x128xf32, #tpu.memory_space<vmem_shared>>
        tpu.wait_indirect_dma semaphore(%run_scoped3A : memref<!tpu.dma_semaphore, #tpu.memory_space<semaphore_mem>>) src(%arg9 : memref<128x128xf32, #tpu.memory_space<vmem>>) dst(%dma_wait3A_111 : memref<10240x128xf32, #tpu.memory_space<vmem_shared>>)
        tpu.yield
      }) : () -> ()
      %get3A = arith.constant 0 : index
      %get3A_91 = tpu.vector_load %arg8[%get3A] {strides = array<i32>} : memref<128xi32, #tpu.memory_space<vmem>>, vector<16xi32>,
      tpu.vector_store_idx %arg11[%get3A_91], %broadcast_in_dim3A_52 {add = true} : memref<10240xf32, #tpu.memory_space<vmem>>[vector<16xi32>], vector<16xf32>,
      %get3A_92 = arith.constant 16 : index
      %get3A_93 = tpu.vector_load %arg8[%get3A_92] {strides = array<i32>} : memref<128xi32, #tpu.memory_space<vmem>>, vector<16xi32>,
      tpu.vector_store_idx %arg11[%get3A_93], %broadcast_in_dim3A_52 {add = true} : memref<10240xf32, #tpu.memory_space<vmem>>[vector<16xi32>], vector<16xf32>,
      %get3A_94 = arith.constant 32 : index
      %get3A_95 = tpu.vector_load %arg8[%get3A_94] {strides = array<i32>} : memref<128xi32, #tpu.memory_space<vmem>>, vector<16xi32>,
      tpu.vector_store_idx %arg11[%get3A_95], %broadcast_in_dim3A_52 {add = true} : memref<10240xf32, #tpu.memory_space<vmem>>[vector<16xi32>], vector<16xf32>,
      %get3A_96 = arith.constant 48 : index
      %get3A_97 = tpu.vector_load %arg8[%get3A_96] {strides = array<i32>} : memref<128xi32, #tpu.memory_space<vmem>>, vector<16xi32>,
      tpu.vector_store_idx %arg11[%get3A_97], %broadcast_in_dim3A_52 {add = true} : memref<10240xf32, #tpu.memory_space<vmem>>[vector<16xi32>], vector<16xf32>,
      %get3A_98 = arith.constant 64 : index
      %get3A_99 = tpu.vector_load %arg8[%get3A_98] {strides = array<i32>} : memref<128xi32, #tpu.memory_space<vmem>>, vector<16xi32>,
      tpu.vector_store_idx %arg11[%get3A_99], %broadcast_in_dim3A_52 {add = true} : memref<10240xf32, #tpu.memory_space<vmem>>[vector<16xi32>], vector<16xf32>,
      %get3A_100 = arith.constant 80 : index
      %get3A_101 = tpu.vector_load %arg8[%get3A_100] {strides = array<i32>} : memref<128xi32, #tpu.memory_space<vmem>>, vector<16xi32>,
      tpu.vector_store_idx %arg11[%get3A_101], %broadcast_in_dim3A_52 {add = true} : memref<10240xf32, #tpu.memory_space<vmem>>[vector<16xi32>], vector<16xf32>,
      %get3A_102 = arith.constant 96 : index
      %get3A_103 = tpu.vector_load %arg8[%get3A_102] {strides = array<i32>} : memref<128xi32, #tpu.memory_space<vmem>>, vector<16xi32>,
      tpu.vector_store_idx %arg11[%get3A_103], %broadcast_in_dim3A_52 {add = true} : memref<10240xf32, #tpu.memory_space<vmem>>[vector<16xi32>], vector<16xf32>,
      %get3A_104 = arith.constant 112 : index
      %get3A_105 = tpu.vector_load %arg8[%get3A_104] {strides = array<i32>} : memref<128xi32, #tpu.memory_space<vmem>>, vector<16xi32>,
      tpu.vector_store_idx %arg11[%get3A_105], %broadcast_in_dim3A_52 {add = true} : memref<10240xf32, #tpu.memory_space<vmem>>[vector<16xi32>], vector<16xf32>,
    }
    %barrier3A_75 = arith.constant 0 : index
    tpu.barrier barrier_id(%barrier3A_75)
    %mul3A_76 = arith.constant 640 : i32
    %mul3A_77 = arith.muli %arg1, %mul3A_76 : i32
    %mul3A_78 = arith.constant 10240 : i32
    %mul3A_79 = arith.muli %arg0, %mul3A_78 : i32
    %mul3A_80 = arith.constant 640 : i32
    %mul3A_81 = arith.muli %arg1, %mul3A_80 : i32
    %add3A_82 = arith.addi %mul3A_79, %mul3A_81 : i32
    "tpu.region"() ({
      %run_scoped3A = tpu.sem_alloc : memref<!tpu.dma_semaphore, #tpu.memory_space<semaphore_mem>>
      %dma_start3A = arith.constant 0 : i32
      %dma_start3A_83 = tpu.memref_slice %arg5[%add3A_82, %dma_start3A] : memref<20480x128xf32, #tpu.memory_space<hbm>> -> memref<640x128xf32, #tpu.memory_space<hbm>>
      %dma_start3A_84 = arith.constant 0 : i32
      %dma_start3A_85 = tpu.memref_slice %arg12[%mul3A_77, %dma_start3A_84] : memref<10240x128xf32, #tpu.memory_space<vmem_shared>> -> memref<640x128xf32, #tpu.memory_space<vmem_shared>>
      tpu.enqueue_dma source(%dma_start3A_85 : memref<640x128xf32, #tpu.memory_space<vmem_shared>>) target(%dma_start3A_83 : memref<640x128xf32, #tpu.memory_space<hbm>>) target_semaphore(%run_scoped3A : memref<!tpu.dma_semaphore, #tpu.memory_space<semaphore_mem>>)
      %dma_wait3A = arith.constant 0 : i32
      %dma_wait3A_86 = tpu.memref_slice %arg5[%add3A_82, %dma_wait3A] : memref<20480x128xf32, #tpu.memory_space<hbm>> -> memref<640x128xf32, #tpu.memory_space<hbm>>
      %dma_wait3A_87 = arith.constant 0 : i32
      %dma_wait3A_88 = tpu.memref_slice %arg12[%mul3A_77, %dma_wait3A_87] : memref<10240x128xf32, #tpu.memory_space<vmem_shared>> -> memref<640x128xf32, #tpu.memory_space<vmem_shared>>
      tpu.wait_dma2 semaphore(%run_scoped3A : memref<!tpu.dma_semaphore, #tpu.memory_space<semaphore_mem>>) src(%dma_wait3A_88 : memref<640x128xf32, #tpu.memory_space<vmem_shared>>) dst(%dma_wait3A_86 : memref<640x128xf32, #tpu.memory_space<hbm>>)
      tpu.yield
    }) : () -> ()
    "tpu.region"() ({
      %run_scoped3A = tpu.sem_alloc : memref<!tpu.dma_semaphore, #tpu.memory_space<semaphore_mem>>
      %dma_start3A = arith.constant 0 : i32
      %dma_start3A_83 = tpu.memref_slice %arg6[%add3A, %dma_start3A] : memref<32x10240xf32, #tpu.memory_space<hbm>> -> memref<1x10240xf32, #tpu.memory_space<hbm>>
      %dma_start3A_84 = tpu.memref_squeeze %dma_start3A_83 : memref<1x10240xf32, #tpu.memory_space<hbm>> -> memref<10240xf32, #tpu.memory_space<hbm>>
      %dma_start3A_85 = arith.constant 0 : i32
      %dma_start3A_86 = tpu.memref_slice %arg6[%add3A, %dma_start3A_85] : memref<32x10240xf32, #tpu.memory_space<hbm>> -> memref<1x10240xf32, #tpu.memory_space<hbm>>
      %dma_start3A_87 = tpu.memref_squeeze %dma_start3A_86 : memref<1x10240xf32, #tpu.memory_space<hbm>> -> memref<10240xf32, #tpu.memory_space<hbm>>
      tpu.enqueue_dma source(%arg11 : memref<10240xf32, #tpu.memory_space<vmem>>) target(%dma_start3A_87 : memref<10240xf32, #tpu.memory_space<hbm>>) target_semaphore(%run_scoped3A : memref<!tpu.dma_semaphore, #tpu.memory_space<semaphore_mem>>)
      %dma_wait3A = arith.constant 0 : i32
      %dma_wait3A_88 = tpu.memref_slice %arg6[%add3A, %dma_wait3A] : memref<32x10240xf32, #tpu.memory_space<hbm>> -> memref<1x10240xf32, #tpu.memory_space<hbm>>
      %dma_wait3A_89 = tpu.memref_squeeze %dma_wait3A_88 : memref<1x10240xf32, #tpu.memory_space<hbm>> -> memref<10240xf32, #tpu.memory_space<hbm>>
      %dma_wait3A_90 = arith.constant 0 : i32
      %dma_wait3A_91 = tpu.memref_slice %arg6[%add3A, %dma_wait3A_90] : memref<32x10240xf32, #tpu.memory_space<hbm>> -> memref<1x10240xf32, #tpu.memory_space<hbm>>
      %dma_wait3A_92 = tpu.memref_squeeze %dma_wait3A_91 : memref<1x10240xf32, #tpu.memory_space<hbm>> -> memref<10240xf32, #tpu.memory_space<hbm>>
      tpu.wait_dma2 semaphore(%run_scoped3A : memref<!tpu.dma_semaphore, #tpu.memory_space<semaphore_mem>>) src(%arg11 : memref<10240xf32, #tpu.memory_space<vmem>>) dst(%dma_wait3A_92 : memref<10240xf32, #tpu.memory_space<hbm>>)
      tpu.yield
    }) : () -> ()
    return
  }
}

#map = affine_map<(d0, d1) -> (0, 0)>
#map1 = affine_map<(d0, d1) -> (0)>
module attributes {stable_mosaic.version = 14 : i64} {
  func.func @_sc_agg_body(%arg0: i32, %arg1: i32, %arg2: memref<10240x128xf32, #tpu.memory_space<hbm>>, %arg3: memref<323584xi32, #tpu.memory_space<hbm>>, %arg4: memref<323584xi32, #tpu.memory_space<hbm>>, %arg5: memref<20480x128xf32, #tpu.memory_space<hbm>>, %arg6: memref<32x10240xf32, #tpu.memory_space<hbm>>, %arg7: memref<128xi32, #tpu.memory_space<vmem>>, %arg8: memref<128xi32, #tpu.memory_space<vmem>>, %arg9: memref<128x128xf32, #tpu.memory_space<vmem>>, %arg10: memref<64x128xf32, #tpu.memory_space<vmem>>, %arg11: memref<10240xf32, #tpu.memory_space<vmem>>, %arg12: memref<10240x128xf32, #tpu.memory_space<vmem_shared>>, %arg13: memref<!tpu.dma_semaphore, #tpu.memory_space<semaphore_mem>>) attributes {dimension_semantics = [#tpu.dimension_semantics<core_parallel>, #tpu.dimension_semantics<subcore_parallel>], iteration_bounds = array<i64: 2, 16>, scalar_prefetch = 0 : i64, scratch_operands = 7 : i64, tpu.core_type = #tpu.core_type<sc_vector_subcore>, window_params = [{transform_indices = #map}, {transform_indices = #map1}, {transform_indices = #map1}, {transform_indices = #map}, {transform_indices = #map}]} {
    %mul3A = arith.constant 16 : i32
    %mul3A_0 = arith.muli %arg0, %mul3A : i32
    %add3A = arith.addi %mul3A_0, %arg1 : i32
    %scan3A = arith.constant 0 : i32
    %scan3A_1 = arith.constant 0 : i32
    %scan3A_2 = arith.constant 64 : i32
    %scan3A_3 = arith.addi %scan3A_1, %scan3A_2 : i32
    %scan3A_4 = arith.constant 1 : i32
    scf.for %scan3A_83 = %scan3A_1 to %scan3A_3 step %scan3A_4  : i32 {
      %broadcast_in_dim3A_84 = arith.constant 0.000000e+00 : f32
      %broadcast_in_dim3A_85 = vector.broadcast %broadcast_in_dim3A_84 : f32 to vector<16xf32>
      %swap3A = arith.index_cast %scan3A_83 : i32 to index
      %swap3A_86 = arith.constant 0 : index
      %swap3A_87 = tpu.vector_load %arg10[%swap3A, %swap3A_86] {strides = array<i32>} : memref<64x128xf32, #tpu.memory_space<vmem>>, vector<16xf32>,
      tpu.vector_store %arg10[%swap3A, %swap3A_86], %broadcast_in_dim3A_85 {strides = array<i32>} : memref<64x128xf32, #tpu.memory_space<vmem>>, vector<16xf32>,
      %broadcast_in_dim3A_88 = arith.constant 0.000000e+00 : f32
      %broadcast_in_dim3A_89 = vector.broadcast %broadcast_in_dim3A_88 : f32 to vector<16xf32>
      %swap3A_90 = arith.index_cast %scan3A_83 : i32 to index
      %swap3A_91 = arith.constant 16 : index
      %swap3A_92 = tpu.vector_load %arg10[%swap3A_90, %swap3A_91] {strides = array<i32>} : memref<64x128xf32, #tpu.memory_space<vmem>>, vector<16xf32>,
      tpu.vector_store %arg10[%swap3A_90, %swap3A_91], %broadcast_in_dim3A_89 {strides = array<i32>} : memref<64x128xf32, #tpu.memory_space<vmem>>, vector<16xf32>,
      %broadcast_in_dim3A_93 = arith.constant 0.000000e+00 : f32
      %broadcast_in_dim3A_94 = vector.broadcast %broadcast_in_dim3A_93 : f32 to vector<16xf32>
      %swap3A_95 = arith.index_cast %scan3A_83 : i32 to index
      %swap3A_96 = arith.constant 32 : index
      %swap3A_97 = tpu.vector_load %arg10[%swap3A_95, %swap3A_96] {strides = array<i32>} : memref<64x128xf32, #tpu.memory_space<vmem>>, vector<16xf32>,
      tpu.vector_store %arg10[%swap3A_95, %swap3A_96], %broadcast_in_dim3A_94 {strides = array<i32>} : memref<64x128xf32, #tpu.memory_space<vmem>>, vector<16xf32>,
      %broadcast_in_dim3A_98 = arith.constant 0.000000e+00 : f32
      %broadcast_in_dim3A_99 = vector.broadcast %broadcast_in_dim3A_98 : f32 to vector<16xf32>
      %swap3A_100 = arith.index_cast %scan3A_83 : i32 to index
      %swap3A_101 = arith.constant 48 : index
      %swap3A_102 = tpu.vector_load %arg10[%swap3A_100, %swap3A_101] {strides = array<i32>} : memref<64x128xf32, #tpu.memory_space<vmem>>, vector<16xf32>,
      tpu.vector_store %arg10[%swap3A_100, %swap3A_101], %broadcast_in_dim3A_99 {strides = array<i32>} : memref<64x128xf32, #tpu.memory_space<vmem>>, vector<16xf32>,
      %broadcast_in_dim3A_103 = arith.constant 0.000000e+00 : f32
      %broadcast_in_dim3A_104 = vector.broadcast %broadcast_in_dim3A_103 : f32 to vector<16xf32>
      %swap3A_105 = arith.index_cast %scan3A_83 : i32 to index
      %swap3A_106 = arith.constant 64 : index
      %swap3A_107 = tpu.vector_load %arg10[%swap3A_105, %swap3A_106] {strides = array<i32>} : memref<64x128xf32, #tpu.memory_space<vmem>>, vector<16xf32>,
      tpu.vector_store %arg10[%swap3A_105, %swap3A_106], %broadcast_in_dim3A_104 {strides = array<i32>} : memref<64x128xf32, #tpu.memory_space<vmem>>, vector<16xf32>,
      %broadcast_in_dim3A_108 = arith.constant 0.000000e+00 : f32
      %broadcast_in_dim3A_109 = vector.broadcast %broadcast_in_dim3A_108 : f32 to vector<16xf32>
      %swap3A_110 = arith.index_cast %scan3A_83 : i32 to index
      %swap3A_111 = arith.constant 80 : index
      %swap3A_112 = tpu.vector_load %arg10[%swap3A_110, %swap3A_111] {strides = array<i32>} : memref<64x128xf32, #tpu.memory_space<vmem>>, vector<16xf32>,
      tpu.vector_store %arg10[%swap3A_110, %swap3A_111], %broadcast_in_dim3A_109 {strides = array<i32>} : memref<64x128xf32, #tpu.memory_space<vmem>>, vector<16xf32>,
      %broadcast_in_dim3A_113 = arith.constant 0.000000e+00 : f32
      %broadcast_in_dim3A_114 = vector.broadcast %broadcast_in_dim3A_113 : f32 to vector<16xf32>
      %swap3A_115 = arith.index_cast %scan3A_83 : i32 to index
      %swap3A_116 = arith.constant 96 : index
      %swap3A_117 = tpu.vector_load %arg10[%swap3A_115, %swap3A_116] {strides = array<i32>} : memref<64x128xf32, #tpu.memory_space<vmem>>, vector<16xf32>,
      tpu.vector_store %arg10[%swap3A_115, %swap3A_116], %broadcast_in_dim3A_114 {strides = array<i32>} : memref<64x128xf32, #tpu.memory_space<vmem>>, vector<16xf32>,
      %broadcast_in_dim3A_118 = arith.constant 0.000000e+00 : f32
      %broadcast_in_dim3A_119 = vector.broadcast %broadcast_in_dim3A_118 : f32 to vector<16xf32>
      %swap3A_120 = arith.index_cast %scan3A_83 : i32 to index
      %swap3A_121 = arith.constant 112 : index
      %swap3A_122 = tpu.vector_load %arg10[%swap3A_120, %swap3A_121] {strides = array<i32>} : memref<64x128xf32, #tpu.memory_space<vmem>>, vector<16xf32>,
      tpu.vector_store %arg10[%swap3A_120, %swap3A_121], %broadcast_in_dim3A_119 {strides = array<i32>} : memref<64x128xf32, #tpu.memory_space<vmem>>, vector<16xf32>,
    }
    %scan3A_5 = arith.constant 64 : i32
    %scan3A_6 = arith.constant 0 : i32
    %scan3A_7 = arith.constant 0 : i32
    %scan3A_8 = arith.constant 640 : i32
    %scan3A_9 = arith.addi %scan3A_7, %scan3A_8 : i32
    %scan3A_10 = arith.constant 1 : i32
    scf.for %scan3A_83 = %scan3A_7 to %scan3A_9 step %scan3A_10  : i32 {
      %broadcast_in_dim3A_84 = arith.constant 0.000000e+00 : f32
      %broadcast_in_dim3A_85 = vector.broadcast %broadcast_in_dim3A_84 : f32 to vector<16xf32>
      %mul3A_86 = arith.constant 16 : i32
      %mul3A_87 = arith.muli %scan3A_83, %mul3A_86 : i32
      %swap3A = arith.index_cast %mul3A_87 : i32 to index
      %swap3A_88 = tpu.vector_load %arg11[%swap3A] {strides = array<i32>} : memref<10240xf32, #tpu.memory_space<vmem>>, vector<16xf32>,
      tpu.vector_store %arg11[%swap3A], %broadcast_in_dim3A_85 {strides = array<i32>} : memref<10240xf32, #tpu.memory_space<vmem>>, vector<16xf32>,
    }
    %scan3A_11 = arith.constant 640 : i32
    %mul3A_12 = arith.constant 640 : i32
    %mul3A_13 = arith.muli %arg1, %mul3A_12 : i32
    %add3A_14 = arith.constant 0 : i32
    %add3A_15 = arith.addi %mul3A_13, %add3A_14 : i32
    "tpu.region"() ({
      %run_scoped3A = tpu.sem_alloc : memref<!tpu.dma_semaphore, #tpu.memory_space<semaphore_mem>>
      %dma_start3A = arith.constant 0 : i32
      %dma_start3A_83 = tpu.memref_slice %arg12[%add3A_15, %dma_start3A] : memref<10240x128xf32, #tpu.memory_space<vmem_shared>> -> memref<64x128xf32, #tpu.memory_space<vmem_shared>>
      %dma_start3A_84 = arith.constant 0 : i32
      %dma_start3A_85 = tpu.memref_slice %arg12[%add3A_15, %dma_start3A_84] : memref<10240x128xf32, #tpu.memory_space<vmem_shared>> -> memref<64x128xf32, #tpu.memory_space<vmem_shared>>
      tpu.enqueue_dma source(%arg10 : memref<64x128xf32, #tpu.memory_space<vmem>>) target(%dma_start3A_85 : memref<64x128xf32, #tpu.memory_space<vmem_shared>>) target_semaphore(%run_scoped3A : memref<!tpu.dma_semaphore, #tpu.memory_space<semaphore_mem>>)
      %dma_wait3A = arith.constant 0 : i32
      %dma_wait3A_86 = tpu.memref_slice %arg12[%add3A_15, %dma_wait3A] : memref<10240x128xf32, #tpu.memory_space<vmem_shared>> -> memref<64x128xf32, #tpu.memory_space<vmem_shared>>
      %dma_wait3A_87 = arith.constant 0 : i32
      %dma_wait3A_88 = tpu.memref_slice %arg12[%add3A_15, %dma_wait3A_87] : memref<10240x128xf32, #tpu.memory_space<vmem_shared>> -> memref<64x128xf32, #tpu.memory_space<vmem_shared>>
      tpu.wait_dma2 semaphore(%run_scoped3A : memref<!tpu.dma_semaphore, #tpu.memory_space<semaphore_mem>>) src(%arg10 : memref<64x128xf32, #tpu.memory_space<vmem>>) dst(%dma_wait3A_88 : memref<64x128xf32, #tpu.memory_space<vmem_shared>>)
      tpu.yield
    }) : () -> ()
    %mul3A_16 = arith.constant 640 : i32
    %mul3A_17 = arith.muli %arg1, %mul3A_16 : i32
    %add3A_18 = arith.constant 64 : i32
    %add3A_19 = arith.addi %mul3A_17, %add3A_18 : i32
    "tpu.region"() ({
      %run_scoped3A = tpu.sem_alloc : memref<!tpu.dma_semaphore, #tpu.memory_space<semaphore_mem>>
      %dma_start3A = arith.constant 0 : i32
      %dma_start3A_83 = tpu.memref_slice %arg12[%add3A_19, %dma_start3A] : memref<10240x128xf32, #tpu.memory_space<vmem_shared>> -> memref<64x128xf32, #tpu.memory_space<vmem_shared>>
      %dma_start3A_84 = arith.constant 0 : i32
      %dma_start3A_85 = tpu.memref_slice %arg12[%add3A_19, %dma_start3A_84] : memref<10240x128xf32, #tpu.memory_space<vmem_shared>> -> memref<64x128xf32, #tpu.memory_space<vmem_shared>>
      tpu.enqueue_dma source(%arg10 : memref<64x128xf32, #tpu.memory_space<vmem>>) target(%dma_start3A_85 : memref<64x128xf32, #tpu.memory_space<vmem_shared>>) target_semaphore(%run_scoped3A : memref<!tpu.dma_semaphore, #tpu.memory_space<semaphore_mem>>)
      %dma_wait3A = arith.constant 0 : i32
      %dma_wait3A_86 = tpu.memref_slice %arg12[%add3A_19, %dma_wait3A] : memref<10240x128xf32, #tpu.memory_space<vmem_shared>> -> memref<64x128xf32, #tpu.memory_space<vmem_shared>>
      %dma_wait3A_87 = arith.constant 0 : i32
      %dma_wait3A_88 = tpu.memref_slice %arg12[%add3A_19, %dma_wait3A_87] : memref<10240x128xf32, #tpu.memory_space<vmem_shared>> -> memref<64x128xf32, #tpu.memory_space<vmem_shared>>
      tpu.wait_dma2 semaphore(%run_scoped3A : memref<!tpu.dma_semaphore, #tpu.memory_space<semaphore_mem>>) src(%arg10 : memref<64x128xf32, #tpu.memory_space<vmem>>) dst(%dma_wait3A_88 : memref<64x128xf32, #tpu.memory_space<vmem_shared>>)
      tpu.yield
    }) : () -> ()
    %mul3A_20 = arith.constant 640 : i32
    %mul3A_21 = arith.muli %arg1, %mul3A_20 : i32
    %add3A_22 = arith.constant 128 : i32
    %add3A_23 = arith.addi %mul3A_21, %add3A_22 : i32
    "tpu.region"() ({
      %run_scoped3A = tpu.sem_alloc : memref<!tpu.dma_semaphore, #tpu.memory_space<semaphore_mem>>
      %dma_start3A = arith.constant 0 : i32
      %dma_start3A_83 = tpu.memref_slice %arg12[%add3A_23, %dma_start3A] : memref<10240x128xf32, #tpu.memory_space<vmem_shared>> -> memref<64x128xf32, #tpu.memory_space<vmem_shared>>
      %dma_start3A_84 = arith.constant 0 : i32
      %dma_start3A_85 = tpu.memref_slice %arg12[%add3A_23, %dma_start3A_84] : memref<10240x128xf32, #tpu.memory_space<vmem_shared>> -> memref<64x128xf32, #tpu.memory_space<vmem_shared>>
      tpu.enqueue_dma source(%arg10 : memref<64x128xf32, #tpu.memory_space<vmem>>) target(%dma_start3A_85 : memref<64x128xf32, #tpu.memory_space<vmem_shared>>) target_semaphore(%run_scoped3A : memref<!tpu.dma_semaphore, #tpu.memory_space<semaphore_mem>>)
      %dma_wait3A = arith.constant 0 : i32
      %dma_wait3A_86 = tpu.memref_slice %arg12[%add3A_23, %dma_wait3A] : memref<10240x128xf32, #tpu.memory_space<vmem_shared>> -> memref<64x128xf32, #tpu.memory_space<vmem_shared>>
      %dma_wait3A_87 = arith.constant 0 : i32
      %dma_wait3A_88 = tpu.memref_slice %arg12[%add3A_23, %dma_wait3A_87] : memref<10240x128xf32, #tpu.memory_space<vmem_shared>> -> memref<64x128xf32, #tpu.memory_space<vmem_shared>>
      tpu.wait_dma2 semaphore(%run_scoped3A : memref<!tpu.dma_semaphore, #tpu.memory_space<semaphore_mem>>) src(%arg10 : memref<64x128xf32, #tpu.memory_space<vmem>>) dst(%dma_wait3A_88 : memref<64x128xf32, #tpu.memory_space<vmem_shared>>)
      tpu.yield
    }) : () -> ()
    %mul3A_24 = arith.constant 640 : i32
    %mul3A_25 = arith.muli %arg1, %mul3A_24 : i32
    %add3A_26 = arith.constant 192 : i32
    %add3A_27 = arith.addi %mul3A_25, %add3A_26 : i32
    "tpu.region"() ({
      %run_scoped3A = tpu.sem_alloc : memref<!tpu.dma_semaphore, #tpu.memory_space<semaphore_mem>>
      %dma_start3A = arith.constant 0 : i32
      %dma_start3A_83 = tpu.memref_slice %arg12[%add3A_27, %dma_start3A] : memref<10240x128xf32, #tpu.memory_space<vmem_shared>> -> memref<64x128xf32, #tpu.memory_space<vmem_shared>>
      %dma_start3A_84 = arith.constant 0 : i32
      %dma_start3A_85 = tpu.memref_slice %arg12[%add3A_27, %dma_start3A_84] : memref<10240x128xf32, #tpu.memory_space<vmem_shared>> -> memref<64x128xf32, #tpu.memory_space<vmem_shared>>
      tpu.enqueue_dma source(%arg10 : memref<64x128xf32, #tpu.memory_space<vmem>>) target(%dma_start3A_85 : memref<64x128xf32, #tpu.memory_space<vmem_shared>>) target_semaphore(%run_scoped3A : memref<!tpu.dma_semaphore, #tpu.memory_space<semaphore_mem>>)
      %dma_wait3A = arith.constant 0 : i32
      %dma_wait3A_86 = tpu.memref_slice %arg12[%add3A_27, %dma_wait3A] : memref<10240x128xf32, #tpu.memory_space<vmem_shared>> -> memref<64x128xf32, #tpu.memory_space<vmem_shared>>
      %dma_wait3A_87 = arith.constant 0 : i32
      %dma_wait3A_88 = tpu.memref_slice %arg12[%add3A_27, %dma_wait3A_87] : memref<10240x128xf32, #tpu.memory_space<vmem_shared>> -> memref<64x128xf32, #tpu.memory_space<vmem_shared>>
      tpu.wait_dma2 semaphore(%run_scoped3A : memref<!tpu.dma_semaphore, #tpu.memory_space<semaphore_mem>>) src(%arg10 : memref<64x128xf32, #tpu.memory_space<vmem>>) dst(%dma_wait3A_88 : memref<64x128xf32, #tpu.memory_space<vmem_shared>>)
      tpu.yield
    }) : () -> ()
    %mul3A_28 = arith.constant 640 : i32
    %mul3A_29 = arith.muli %arg1, %mul3A_28 : i32
    %add3A_30 = arith.constant 256 : i32
    %add3A_31 = arith.addi %mul3A_29, %add3A_30 : i32
    "tpu.region"() ({
      %run_scoped3A = tpu.sem_alloc : memref<!tpu.dma_semaphore, #tpu.memory_space<semaphore_mem>>
      %dma_start3A = arith.constant 0 : i32
      %dma_start3A_83 = tpu.memref_slice %arg12[%add3A_31, %dma_start3A] : memref<10240x128xf32, #tpu.memory_space<vmem_shared>> -> memref<64x128xf32, #tpu.memory_space<vmem_shared>>
      %dma_start3A_84 = arith.constant 0 : i32
      %dma_start3A_85 = tpu.memref_slice %arg12[%add3A_31, %dma_start3A_84] : memref<10240x128xf32, #tpu.memory_space<vmem_shared>> -> memref<64x128xf32, #tpu.memory_space<vmem_shared>>
      tpu.enqueue_dma source(%arg10 : memref<64x128xf32, #tpu.memory_space<vmem>>) target(%dma_start3A_85 : memref<64x128xf32, #tpu.memory_space<vmem_shared>>) target_semaphore(%run_scoped3A : memref<!tpu.dma_semaphore, #tpu.memory_space<semaphore_mem>>)
      %dma_wait3A = arith.constant 0 : i32
      %dma_wait3A_86 = tpu.memref_slice %arg12[%add3A_31, %dma_wait3A] : memref<10240x128xf32, #tpu.memory_space<vmem_shared>> -> memref<64x128xf32, #tpu.memory_space<vmem_shared>>
      %dma_wait3A_87 = arith.constant 0 : i32
      %dma_wait3A_88 = tpu.memref_slice %arg12[%add3A_31, %dma_wait3A_87] : memref<10240x128xf32, #tpu.memory_space<vmem_shared>> -> memref<64x128xf32, #tpu.memory_space<vmem_shared>>
      tpu.wait_dma2 semaphore(%run_scoped3A : memref<!tpu.dma_semaphore, #tpu.memory_space<semaphore_mem>>) src(%arg10 : memref<64x128xf32, #tpu.memory_space<vmem>>) dst(%dma_wait3A_88 : memref<64x128xf32, #tpu.memory_space<vmem_shared>>)
      tpu.yield
    }) : () -> ()
    %mul3A_32 = arith.constant 640 : i32
    %mul3A_33 = arith.muli %arg1, %mul3A_32 : i32
    %add3A_34 = arith.constant 320 : i32
    %add3A_35 = arith.addi %mul3A_33, %add3A_34 : i32
    "tpu.region"() ({
      %run_scoped3A = tpu.sem_alloc : memref<!tpu.dma_semaphore, #tpu.memory_space<semaphore_mem>>
      %dma_start3A = arith.constant 0 : i32
      %dma_start3A_83 = tpu.memref_slice %arg12[%add3A_35, %dma_start3A] : memref<10240x128xf32, #tpu.memory_space<vmem_shared>> -> memref<64x128xf32, #tpu.memory_space<vmem_shared>>
      %dma_start3A_84 = arith.constant 0 : i32
      %dma_start3A_85 = tpu.memref_slice %arg12[%add3A_35, %dma_start3A_84] : memref<10240x128xf32, #tpu.memory_space<vmem_shared>> -> memref<64x128xf32, #tpu.memory_space<vmem_shared>>
      tpu.enqueue_dma source(%arg10 : memref<64x128xf32, #tpu.memory_space<vmem>>) target(%dma_start3A_85 : memref<64x128xf32, #tpu.memory_space<vmem_shared>>) target_semaphore(%run_scoped3A : memref<!tpu.dma_semaphore, #tpu.memory_space<semaphore_mem>>)
      %dma_wait3A = arith.constant 0 : i32
      %dma_wait3A_86 = tpu.memref_slice %arg12[%add3A_35, %dma_wait3A] : memref<10240x128xf32, #tpu.memory_space<vmem_shared>> -> memref<64x128xf32, #tpu.memory_space<vmem_shared>>
      %dma_wait3A_87 = arith.constant 0 : i32
      %dma_wait3A_88 = tpu.memref_slice %arg12[%add3A_35, %dma_wait3A_87] : memref<10240x128xf32, #tpu.memory_space<vmem_shared>> -> memref<64x128xf32, #tpu.memory_space<vmem_shared>>
      tpu.wait_dma2 semaphore(%run_scoped3A : memref<!tpu.dma_semaphore, #tpu.memory_space<semaphore_mem>>) src(%arg10 : memref<64x128xf32, #tpu.memory_space<vmem>>) dst(%dma_wait3A_88 : memref<64x128xf32, #tpu.memory_space<vmem_shared>>)
      tpu.yield
    }) : () -> ()
    %mul3A_36 = arith.constant 640 : i32
    %mul3A_37 = arith.muli %arg1, %mul3A_36 : i32
    %add3A_38 = arith.constant 384 : i32
    %add3A_39 = arith.addi %mul3A_37, %add3A_38 : i32
    "tpu.region"() ({
      %run_scoped3A = tpu.sem_alloc : memref<!tpu.dma_semaphore, #tpu.memory_space<semaphore_mem>>
      %dma_start3A = arith.constant 0 : i32
      %dma_start3A_83 = tpu.memref_slice %arg12[%add3A_39, %dma_start3A] : memref<10240x128xf32, #tpu.memory_space<vmem_shared>> -> memref<64x128xf32, #tpu.memory_space<vmem_shared>>
      %dma_start3A_84 = arith.constant 0 : i32
      %dma_start3A_85 = tpu.memref_slice %arg12[%add3A_39, %dma_start3A_84] : memref<10240x128xf32, #tpu.memory_space<vmem_shared>> -> memref<64x128xf32, #tpu.memory_space<vmem_shared>>
      tpu.enqueue_dma source(%arg10 : memref<64x128xf32, #tpu.memory_space<vmem>>) target(%dma_start3A_85 : memref<64x128xf32, #tpu.memory_space<vmem_shared>>) target_semaphore(%run_scoped3A : memref<!tpu.dma_semaphore, #tpu.memory_space<semaphore_mem>>)
      %dma_wait3A = arith.constant 0 : i32
      %dma_wait3A_86 = tpu.memref_slice %arg12[%add3A_39, %dma_wait3A] : memref<10240x128xf32, #tpu.memory_space<vmem_shared>> -> memref<64x128xf32, #tpu.memory_space<vmem_shared>>
      %dma_wait3A_87 = arith.constant 0 : i32
      %dma_wait3A_88 = tpu.memref_slice %arg12[%add3A_39, %dma_wait3A_87] : memref<10240x128xf32, #tpu.memory_space<vmem_shared>> -> memref<64x128xf32, #tpu.memory_space<vmem_shared>>
      tpu.wait_dma2 semaphore(%run_scoped3A : memref<!tpu.dma_semaphore, #tpu.memory_space<semaphore_mem>>) src(%arg10 : memref<64x128xf32, #tpu.memory_space<vmem>>) dst(%dma_wait3A_88 : memref<64x128xf32, #tpu.memory_space<vmem_shared>>)
      tpu.yield
    }) : () -> ()
    %mul3A_40 = arith.constant 640 : i32
    %mul3A_41 = arith.muli %arg1, %mul3A_40 : i32
    %add3A_42 = arith.constant 448 : i32
    %add3A_43 = arith.addi %mul3A_41, %add3A_42 : i32
    "tpu.region"() ({
      %run_scoped3A = tpu.sem_alloc : memref<!tpu.dma_semaphore, #tpu.memory_space<semaphore_mem>>
      %dma_start3A = arith.constant 0 : i32
      %dma_start3A_83 = tpu.memref_slice %arg12[%add3A_43, %dma_start3A] : memref<10240x128xf32, #tpu.memory_space<vmem_shared>> -> memref<64x128xf32, #tpu.memory_space<vmem_shared>>
      %dma_start3A_84 = arith.constant 0 : i32
      %dma_start3A_85 = tpu.memref_slice %arg12[%add3A_43, %dma_start3A_84] : memref<10240x128xf32, #tpu.memory_space<vmem_shared>> -> memref<64x128xf32, #tpu.memory_space<vmem_shared>>
      tpu.enqueue_dma source(%arg10 : memref<64x128xf32, #tpu.memory_space<vmem>>) target(%dma_start3A_85 : memref<64x128xf32, #tpu.memory_space<vmem_shared>>) target_semaphore(%run_scoped3A : memref<!tpu.dma_semaphore, #tpu.memory_space<semaphore_mem>>)
      %dma_wait3A = arith.constant 0 : i32
      %dma_wait3A_86 = tpu.memref_slice %arg12[%add3A_43, %dma_wait3A] : memref<10240x128xf32, #tpu.memory_space<vmem_shared>> -> memref<64x128xf32, #tpu.memory_space<vmem_shared>>
      %dma_wait3A_87 = arith.constant 0 : i32
      %dma_wait3A_88 = tpu.memref_slice %arg12[%add3A_43, %dma_wait3A_87] : memref<10240x128xf32, #tpu.memory_space<vmem_shared>> -> memref<64x128xf32, #tpu.memory_space<vmem_shared>>
      tpu.wait_dma2 semaphore(%run_scoped3A : memref<!tpu.dma_semaphore, #tpu.memory_space<semaphore_mem>>) src(%arg10 : memref<64x128xf32, #tpu.memory_space<vmem>>) dst(%dma_wait3A_88 : memref<64x128xf32, #tpu.memory_space<vmem_shared>>)
      tpu.yield
    }) : () -> ()
    %mul3A_44 = arith.constant 640 : i32
    %mul3A_45 = arith.muli %arg1, %mul3A_44 : i32
    %add3A_46 = arith.constant 512 : i32
    %add3A_47 = arith.addi %mul3A_45, %add3A_46 : i32
    "tpu.region"() ({
      %run_scoped3A = tpu.sem_alloc : memref<!tpu.dma_semaphore, #tpu.memory_space<semaphore_mem>>
      %dma_start3A = arith.constant 0 : i32
      %dma_start3A_83 = tpu.memref_slice %arg12[%add3A_47, %dma_start3A] : memref<10240x128xf32, #tpu.memory_space<vmem_shared>> -> memref<64x128xf32, #tpu.memory_space<vmem_shared>>
      %dma_start3A_84 = arith.constant 0 : i32
      %dma_start3A_85 = tpu.memref_slice %arg12[%add3A_47, %dma_start3A_84] : memref<10240x128xf32, #tpu.memory_space<vmem_shared>> -> memref<64x128xf32, #tpu.memory_space<vmem_shared>>
      tpu.enqueue_dma source(%arg10 : memref<64x128xf32, #tpu.memory_space<vmem>>) target(%dma_start3A_85 : memref<64x128xf32, #tpu.memory_space<vmem_shared>>) target_semaphore(%run_scoped3A : memref<!tpu.dma_semaphore, #tpu.memory_space<semaphore_mem>>)
      %dma_wait3A = arith.constant 0 : i32
      %dma_wait3A_86 = tpu.memref_slice %arg12[%add3A_47, %dma_wait3A] : memref<10240x128xf32, #tpu.memory_space<vmem_shared>> -> memref<64x128xf32, #tpu.memory_space<vmem_shared>>
      %dma_wait3A_87 = arith.constant 0 : i32
      %dma_wait3A_88 = tpu.memref_slice %arg12[%add3A_47, %dma_wait3A_87] : memref<10240x128xf32, #tpu.memory_space<vmem_shared>> -> memref<64x128xf32, #tpu.memory_space<vmem_shared>>
      tpu.wait_dma2 semaphore(%run_scoped3A : memref<!tpu.dma_semaphore, #tpu.memory_space<semaphore_mem>>) src(%arg10 : memref<64x128xf32, #tpu.memory_space<vmem>>) dst(%dma_wait3A_88 : memref<64x128xf32, #tpu.memory_space<vmem_shared>>)
      tpu.yield
    }) : () -> ()
    %mul3A_48 = arith.constant 640 : i32
    %mul3A_49 = arith.muli %arg1, %mul3A_48 : i32
    %add3A_50 = arith.constant 576 : i32
    %add3A_51 = arith.addi %mul3A_49, %add3A_50 : i32
    "tpu.region"() ({
      %run_scoped3A = tpu.sem_alloc : memref<!tpu.dma_semaphore, #tpu.memory_space<semaphore_mem>>
      %dma_start3A = arith.constant 0 : i32
      %dma_start3A_83 = tpu.memref_slice %arg12[%add3A_51, %dma_start3A] : memref<10240x128xf32, #tpu.memory_space<vmem_shared>> -> memref<64x128xf32, #tpu.memory_space<vmem_shared>>
      %dma_start3A_84 = arith.constant 0 : i32
      %dma_start3A_85 = tpu.memref_slice %arg12[%add3A_51, %dma_start3A_84] : memref<10240x128xf32, #tpu.memory_space<vmem_shared>> -> memref<64x128xf32, #tpu.memory_space<vmem_shared>>
      tpu.enqueue_dma source(%arg10 : memref<64x128xf32, #tpu.memory_space<vmem>>) target(%dma_start3A_85 : memref<64x128xf32, #tpu.memory_space<vmem_shared>>) target_semaphore(%run_scoped3A : memref<!tpu.dma_semaphore, #tpu.memory_space<semaphore_mem>>)
      %dma_wait3A = arith.constant 0 : i32
      %dma_wait3A_86 = tpu.memref_slice %arg12[%add3A_51, %dma_wait3A] : memref<10240x128xf32, #tpu.memory_space<vmem_shared>> -> memref<64x128xf32, #tpu.memory_space<vmem_shared>>
      %dma_wait3A_87 = arith.constant 0 : i32
      %dma_wait3A_88 = tpu.memref_slice %arg12[%add3A_51, %dma_wait3A_87] : memref<10240x128xf32, #tpu.memory_space<vmem_shared>> -> memref<64x128xf32, #tpu.memory_space<vmem_shared>>
      tpu.wait_dma2 semaphore(%run_scoped3A : memref<!tpu.dma_semaphore, #tpu.memory_space<semaphore_mem>>) src(%arg10 : memref<64x128xf32, #tpu.memory_space<vmem>>) dst(%dma_wait3A_88 : memref<64x128xf32, #tpu.memory_space<vmem_shared>>)
      tpu.yield
    }) : () -> ()
    %barrier3A = arith.constant 0 : index
    tpu.barrier barrier_id(%barrier3A)
    %broadcast_in_dim3A = arith.constant 1.000000e+00 : f32
    %broadcast_in_dim3A_52 = vector.broadcast %broadcast_in_dim3A : f32 to vector<16xf32>
    %eq3A = arith.constant 0 : i32
    %eq3A_53 = arith.cmpi eq, %arg0, %eq3A : i32
    %mul3A_54 = arith.constant 105 : i32
    %mul3A_55 = arith.muli %arg1, %mul3A_54 : i32
    %mul3A_56 = arith.constant 53 : i32
    %mul3A_57 = arith.muli %arg1, %mul3A_56 : i32
    %add3A_58 = arith.constant 1680 : i32
    %add3A_59 = arith.addi %add3A_58, %mul3A_57 : i32
    %select_n3A = arith.select %eq3A_53, %mul3A_55, %add3A_59 : i32
    %mul3A_60 = arith.constant 128 : i32
    %mul3A_61 = arith.muli %select_n3A, %mul3A_60 : i32
    %eq3A_62 = arith.constant 0 : i32
    %eq3A_63 = arith.cmpi eq, %arg0, %eq3A_62 : i32
    %jit3A = arith.constant 105 : i32
    %jit3A_64 = arith.constant 53 : i32
    %select_n3A_65 = arith.select %eq3A_63, %jit3A, %jit3A_64 : i32
    %while3A = arith.constant 0 : i32
    %while3A_66 = arith.constant 0 : i32
    %while3A_67 = arith.subi %select_n3A_65, %while3A_66 : i32
    %while3A_68 = arith.addi %while3A_66, %while3A_67 : i32
    %while3A_69 = arith.constant 1 : i32
    %while3A_70 = arith.divsi %while3A_67, %while3A_69 : i32
    %while3A_71 = arith.muli %while3A_70, %while3A_69 : i32
    %while3A_72 = arith.addi %while3A_66, %while3A_71 : i32
    %while3A_73 = arith.constant 1 : i32
    scf.for %while3A_83 = %while3A_66 to %while3A_72 step %while3A_73  : i32 {
      %mul3A_84 = arith.constant 128 : i32
      %mul3A_85 = arith.muli %while3A_83, %mul3A_84 : i32
      %add3A_86 = arith.addi %mul3A_61, %mul3A_85 : i32
      "tpu.region"() ({
        %run_scoped3A = tpu.sem_alloc : memref<!tpu.dma_semaphore, #tpu.memory_space<semaphore_mem>>
        %dma_start3A_106 = tpu.memref_slice %arg3[%add3A_86] : memref<323584xi32, #tpu.memory_space<hbm>> -> memref<128xi32, #tpu.memory_space<hbm>>
        %dma_start3A_107 = tpu.memref_slice %arg3[%add3A_86] : memref<323584xi32, #tpu.memory_space<hbm>> -> memref<128xi32, #tpu.memory_space<hbm>>
        tpu.enqueue_dma source(%dma_start3A_107 : memref<128xi32, #tpu.memory_space<hbm>>) target(%arg7 : memref<128xi32, #tpu.memory_space<vmem>>) target_semaphore(%run_scoped3A : memref<!tpu.dma_semaphore, #tpu.memory_space<semaphore_mem>>)
        %dma_wait3A_108 = tpu.memref_slice %arg3[%add3A_86] : memref<323584xi32, #tpu.memory_space<hbm>> -> memref<128xi32, #tpu.memory_space<hbm>>
        %dma_wait3A_109 = tpu.memref_slice %arg3[%add3A_86] : memref<323584xi32, #tpu.memory_space<hbm>> -> memref<128xi32, #tpu.memory_space<hbm>>
        tpu.wait_dma2 semaphore(%run_scoped3A : memref<!tpu.dma_semaphore, #tpu.memory_space<semaphore_mem>>) src(%dma_wait3A_109 : memref<128xi32, #tpu.memory_space<hbm>>) dst(%arg7 : memref<128xi32, #tpu.memory_space<vmem>>)
        tpu.yield
      }) : () -> ()
      "tpu.region"() ({
        %run_scoped3A = tpu.sem_alloc : memref<!tpu.dma_semaphore, #tpu.memory_space<semaphore_mem>>
        %dma_start3A_106 = tpu.memref_slice %arg4[%add3A_86] : memref<323584xi32, #tpu.memory_space<hbm>> -> memref<128xi32, #tpu.memory_space<hbm>>
        %dma_start3A_107 = tpu.memref_slice %arg4[%add3A_86] : memref<323584xi32, #tpu.memory_space<hbm>> -> memref<128xi32, #tpu.memory_space<hbm>>
        tpu.enqueue_dma source(%dma_start3A_107 : memref<128xi32, #tpu.memory_space<hbm>>) target(%arg8 : memref<128xi32, #tpu.memory_space<vmem>>) target_semaphore(%run_scoped3A : memref<!tpu.dma_semaphore, #tpu.memory_space<semaphore_mem>>)
        %dma_wait3A_108 = tpu.memref_slice %arg4[%add3A_86] : memref<323584xi32, #tpu.memory_space<hbm>> -> memref<128xi32, #tpu.memory_space<hbm>>
        %dma_wait3A_109 = tpu.memref_slice %arg4[%add3A_86] : memref<323584xi32, #tpu.memory_space<hbm>> -> memref<128xi32, #tpu.memory_space<hbm>>
        tpu.wait_dma2 semaphore(%run_scoped3A : memref<!tpu.dma_semaphore, #tpu.memory_space<semaphore_mem>>) src(%dma_wait3A_109 : memref<128xi32, #tpu.memory_space<hbm>>) dst(%arg8 : memref<128xi32, #tpu.memory_space<vmem>>)
        tpu.yield
      }) : () -> ()
      %dma_start3A = arith.constant 0 : i32
      %dma_start3A_87 = arith.constant 0 : i32
      %dma_start3A_88 = tpu.memref_slice %arg2[%dma_start3A, %dma_start3A_87] : memref<10240x128xf32, #tpu.memory_space<hbm>> -> memref<10240x128xf32, #tpu.memory_space<hbm>>
      tpu.enqueue_indirect_dma source(%dma_start3A_88 : memref<10240x128xf32, #tpu.memory_space<hbm>>) target(%arg9 : memref<128x128xf32, #tpu.memory_space<vmem>>) offsets(%arg7 : memref<128xi32, #tpu.memory_space<vmem>>) semaphore(%arg13 : memref<!tpu.dma_semaphore, #tpu.memory_space<semaphore_mem>>)
      %dma_wait3A = arith.constant 0 : i32
      %dma_wait3A_89 = arith.constant 0 : i32
      %dma_wait3A_90 = tpu.memref_slice %arg2[%dma_wait3A, %dma_wait3A_89] : memref<10240x128xf32, #tpu.memory_space<hbm>> -> memref<10240x128xf32, #tpu.memory_space<hbm>>
      tpu.wait_indirect_dma semaphore(%arg13 : memref<!tpu.dma_semaphore, #tpu.memory_space<semaphore_mem>>) src(%dma_wait3A_90 : memref<10240x128xf32, #tpu.memory_space<hbm>>) dst(%arg9 : memref<128x128xf32, #tpu.memory_space<vmem>>)
      "tpu.region"() ({
        %run_scoped3A = tpu.sem_alloc : memref<!tpu.dma_semaphore, #tpu.memory_space<semaphore_mem>>
        %dma_start3A_106 = arith.constant 0 : i32
        %dma_start3A_107 = arith.constant 0 : i32
        %dma_start3A_108 = tpu.memref_slice %arg12[%dma_start3A_106, %dma_start3A_107] : memref<10240x128xf32, #tpu.memory_space<vmem_shared>> -> memref<10240x128xf32, #tpu.memory_space<vmem_shared>>
        tpu.enqueue_indirect_dma source(%arg9 : memref<128x128xf32, #tpu.memory_space<vmem>>) target(%dma_start3A_108 : memref<10240x128xf32, #tpu.memory_space<vmem_shared>>) offsets(%arg8 : memref<128xi32, #tpu.memory_space<vmem>>) semaphore(%run_scoped3A : memref<!tpu.dma_semaphore, #tpu.memory_space<semaphore_mem>>) {add = true}
        %dma_wait3A_109 = arith.constant 0 : i32
        %dma_wait3A_110 = arith.constant 0 : i32
        %dma_wait3A_111 = tpu.memref_slice %arg12[%dma_wait3A_109, %dma_wait3A_110] : memref<10240x128xf32, #tpu.memory_space<vmem_shared>> -> memref<10240x128xf32, #tpu.memory_space<vmem_shared>>
        tpu.wait_indirect_dma semaphore(%run_scoped3A : memref<!tpu.dma_semaphore, #tpu.memory_space<semaphore_mem>>) src(%arg9 : memref<128x128xf32, #tpu.memory_space<vmem>>) dst(%dma_wait3A_111 : memref<10240x128xf32, #tpu.memory_space<vmem_shared>>)
        tpu.yield
      }) : () -> ()
      %get3A = arith.constant 0 : index
      %get3A_91 = tpu.vector_load %arg8[%get3A] {strides = array<i32>} : memref<128xi32, #tpu.memory_space<vmem>>, vector<16xi32>,
      tpu.vector_store_idx %arg11[%get3A_91], %broadcast_in_dim3A_52 {add = true} : memref<10240xf32, #tpu.memory_space<vmem>>[vector<16xi32>], vector<16xf32>,
      %get3A_92 = arith.constant 16 : index
      %get3A_93 = tpu.vector_load %arg8[%get3A_92] {strides = array<i32>} : memref<128xi32, #tpu.memory_space<vmem>>, vector<16xi32>,
      tpu.vector_store_idx %arg11[%get3A_93], %broadcast_in_dim3A_52 {add = true} : memref<10240xf32, #tpu.memory_space<vmem>>[vector<16xi32>], vector<16xf32>,
      %get3A_94 = arith.constant 32 : index
      %get3A_95 = tpu.vector_load %arg8[%get3A_94] {strides = array<i32>} : memref<128xi32, #tpu.memory_space<vmem>>, vector<16xi32>,
      tpu.vector_store_idx %arg11[%get3A_95], %broadcast_in_dim3A_52 {add = true} : memref<10240xf32, #tpu.memory_space<vmem>>[vector<16xi32>], vector<16xf32>,
      %get3A_96 = arith.constant 48 : index
      %get3A_97 = tpu.vector_load %arg8[%get3A_96] {strides = array<i32>} : memref<128xi32, #tpu.memory_space<vmem>>, vector<16xi32>,
      tpu.vector_store_idx %arg11[%get3A_97], %broadcast_in_dim3A_52 {add = true} : memref<10240xf32, #tpu.memory_space<vmem>>[vector<16xi32>], vector<16xf32>,
      %get3A_98 = arith.constant 64 : index
      %get3A_99 = tpu.vector_load %arg8[%get3A_98] {strides = array<i32>} : memref<128xi32, #tpu.memory_space<vmem>>, vector<16xi32>,
      tpu.vector_store_idx %arg11[%get3A_99], %broadcast_in_dim3A_52 {add = true} : memref<10240xf32, #tpu.memory_space<vmem>>[vector<16xi32>], vector<16xf32>,
      %get3A_100 = arith.constant 80 : index
      %get3A_101 = tpu.vector_load %arg8[%get3A_100] {strides = array<i32>} : memref<128xi32, #tpu.memory_space<vmem>>, vector<16xi32>,
      tpu.vector_store_idx %arg11[%get3A_101], %broadcast_in_dim3A_52 {add = true} : memref<10240xf32, #tpu.memory_space<vmem>>[vector<16xi32>], vector<16xf32>,
      %get3A_102 = arith.constant 96 : index
      %get3A_103 = tpu.vector_load %arg8[%get3A_102] {strides = array<i32>} : memref<128xi32, #tpu.memory_space<vmem>>, vector<16xi32>,
      tpu.vector_store_idx %arg11[%get3A_103], %broadcast_in_dim3A_52 {add = true} : memref<10240xf32, #tpu.memory_space<vmem>>[vector<16xi32>], vector<16xf32>,
      %get3A_104 = arith.constant 112 : index
      %get3A_105 = tpu.vector_load %arg8[%get3A_104] {strides = array<i32>} : memref<128xi32, #tpu.memory_space<vmem>>, vector<16xi32>,
      tpu.vector_store_idx %arg11[%get3A_105], %broadcast_in_dim3A_52 {add = true} : memref<10240xf32, #tpu.memory_space<vmem>>[vector<16xi32>], vector<16xf32>,
    }
    %while3A_74 = arith.constant 1 : i32
    scf.for %while3A_83 = %while3A_72 to %while3A_68 step %while3A_74  : i32 {
      %mul3A_84 = arith.constant 128 : i32
      %mul3A_85 = arith.muli %while3A_83, %mul3A_84 : i32
      %add3A_86 = arith.addi %mul3A_61, %mul3A_85 : i32
      "tpu.region"() ({
        %run_scoped3A = tpu.sem_alloc : memref<!tpu.dma_semaphore, #tpu.memory_space<semaphore_mem>>
        %dma_start3A_106 = tpu.memref_slice %arg3[%add3A_86] : memref<323584xi32, #tpu.memory_space<hbm>> -> memref<128xi32, #tpu.memory_space<hbm>>
        %dma_start3A_107 = tpu.memref_slice %arg3[%add3A_86] : memref<323584xi32, #tpu.memory_space<hbm>> -> memref<128xi32, #tpu.memory_space<hbm>>
        tpu.enqueue_dma source(%dma_start3A_107 : memref<128xi32, #tpu.memory_space<hbm>>) target(%arg7 : memref<128xi32, #tpu.memory_space<vmem>>) target_semaphore(%run_scoped3A : memref<!tpu.dma_semaphore, #tpu.memory_space<semaphore_mem>>)
        %dma_wait3A_108 = tpu.memref_slice %arg3[%add3A_86] : memref<323584xi32, #tpu.memory_space<hbm>> -> memref<128xi32, #tpu.memory_space<hbm>>
        %dma_wait3A_109 = tpu.memref_slice %arg3[%add3A_86] : memref<323584xi32, #tpu.memory_space<hbm>> -> memref<128xi32, #tpu.memory_space<hbm>>
        tpu.wait_dma2 semaphore(%run_scoped3A : memref<!tpu.dma_semaphore, #tpu.memory_space<semaphore_mem>>) src(%dma_wait3A_109 : memref<128xi32, #tpu.memory_space<hbm>>) dst(%arg7 : memref<128xi32, #tpu.memory_space<vmem>>)
        tpu.yield
      }) : () -> ()
      "tpu.region"() ({
        %run_scoped3A = tpu.sem_alloc : memref<!tpu.dma_semaphore, #tpu.memory_space<semaphore_mem>>
        %dma_start3A_106 = tpu.memref_slice %arg4[%add3A_86] : memref<323584xi32, #tpu.memory_space<hbm>> -> memref<128xi32, #tpu.memory_space<hbm>>
        %dma_start3A_107 = tpu.memref_slice %arg4[%add3A_86] : memref<323584xi32, #tpu.memory_space<hbm>> -> memref<128xi32, #tpu.memory_space<hbm>>
        tpu.enqueue_dma source(%dma_start3A_107 : memref<128xi32, #tpu.memory_space<hbm>>) target(%arg8 : memref<128xi32, #tpu.memory_space<vmem>>) target_semaphore(%run_scoped3A : memref<!tpu.dma_semaphore, #tpu.memory_space<semaphore_mem>>)
        %dma_wait3A_108 = tpu.memref_slice %arg4[%add3A_86] : memref<323584xi32, #tpu.memory_space<hbm>> -> memref<128xi32, #tpu.memory_space<hbm>>
        %dma_wait3A_109 = tpu.memref_slice %arg4[%add3A_86] : memref<323584xi32, #tpu.memory_space<hbm>> -> memref<128xi32, #tpu.memory_space<hbm>>
        tpu.wait_dma2 semaphore(%run_scoped3A : memref<!tpu.dma_semaphore, #tpu.memory_space<semaphore_mem>>) src(%dma_wait3A_109 : memref<128xi32, #tpu.memory_space<hbm>>) dst(%arg8 : memref<128xi32, #tpu.memory_space<vmem>>)
        tpu.yield
      }) : () -> ()
      %dma_start3A = arith.constant 0 : i32
      %dma_start3A_87 = arith.constant 0 : i32
      %dma_start3A_88 = tpu.memref_slice %arg2[%dma_start3A, %dma_start3A_87] : memref<10240x128xf32, #tpu.memory_space<hbm>> -> memref<10240x128xf32, #tpu.memory_space<hbm>>
      tpu.enqueue_indirect_dma source(%dma_start3A_88 : memref<10240x128xf32, #tpu.memory_space<hbm>>) target(%arg9 : memref<128x128xf32, #tpu.memory_space<vmem>>) offsets(%arg7 : memref<128xi32, #tpu.memory_space<vmem>>) semaphore(%arg13 : memref<!tpu.dma_semaphore, #tpu.memory_space<semaphore_mem>>)
      %dma_wait3A = arith.constant 0 : i32
      %dma_wait3A_89 = arith.constant 0 : i32
      %dma_wait3A_90 = tpu.memref_slice %arg2[%dma_wait3A, %dma_wait3A_89] : memref<10240x128xf32, #tpu.memory_space<hbm>> -> memref<10240x128xf32, #tpu.memory_space<hbm>>
      tpu.wait_indirect_dma semaphore(%arg13 : memref<!tpu.dma_semaphore, #tpu.memory_space<semaphore_mem>>) src(%dma_wait3A_90 : memref<10240x128xf32, #tpu.memory_space<hbm>>) dst(%arg9 : memref<128x128xf32, #tpu.memory_space<vmem>>)
      "tpu.region"() ({
        %run_scoped3A = tpu.sem_alloc : memref<!tpu.dma_semaphore, #tpu.memory_space<semaphore_mem>>
        %dma_start3A_106 = arith.constant 0 : i32
        %dma_start3A_107 = arith.constant 0 : i32
        %dma_start3A_108 = tpu.memref_slice %arg12[%dma_start3A_106, %dma_start3A_107] : memref<10240x128xf32, #tpu.memory_space<vmem_shared>> -> memref<10240x128xf32, #tpu.memory_space<vmem_shared>>
        tpu.enqueue_indirect_dma source(%arg9 : memref<128x128xf32, #tpu.memory_space<vmem>>) target(%dma_start3A_108 : memref<10240x128xf32, #tpu.memory_space<vmem_shared>>) offsets(%arg8 : memref<128xi32, #tpu.memory_space<vmem>>) semaphore(%run_scoped3A : memref<!tpu.dma_semaphore, #tpu.memory_space<semaphore_mem>>) {add = true}
        %dma_wait3A_109 = arith.constant 0 : i32
        %dma_wait3A_110 = arith.constant 0 : i32
        %dma_wait3A_111 = tpu.memref_slice %arg12[%dma_wait3A_109, %dma_wait3A_110] : memref<10240x128xf32, #tpu.memory_space<vmem_shared>> -> memref<10240x128xf32, #tpu.memory_space<vmem_shared>>
        tpu.wait_indirect_dma semaphore(%run_scoped3A : memref<!tpu.dma_semaphore, #tpu.memory_space<semaphore_mem>>) src(%arg9 : memref<128x128xf32, #tpu.memory_space<vmem>>) dst(%dma_wait3A_111 : memref<10240x128xf32, #tpu.memory_space<vmem_shared>>)
        tpu.yield
      }) : () -> ()
      %get3A = arith.constant 0 : index
      %get3A_91 = tpu.vector_load %arg8[%get3A] {strides = array<i32>} : memref<128xi32, #tpu.memory_space<vmem>>, vector<16xi32>,
      tpu.vector_store_idx %arg11[%get3A_91], %broadcast_in_dim3A_52 {add = true} : memref<10240xf32, #tpu.memory_space<vmem>>[vector<16xi32>], vector<16xf32>,
      %get3A_92 = arith.constant 16 : index
      %get3A_93 = tpu.vector_load %arg8[%get3A_92] {strides = array<i32>} : memref<128xi32, #tpu.memory_space<vmem>>, vector<16xi32>,
      tpu.vector_store_idx %arg11[%get3A_93], %broadcast_in_dim3A_52 {add = true} : memref<10240xf32, #tpu.memory_space<vmem>>[vector<16xi32>], vector<16xf32>,
      %get3A_94 = arith.constant 32 : index
      %get3A_95 = tpu.vector_load %arg8[%get3A_94] {strides = array<i32>} : memref<128xi32, #tpu.memory_space<vmem>>, vector<16xi32>,
      tpu.vector_store_idx %arg11[%get3A_95], %broadcast_in_dim3A_52 {add = true} : memref<10240xf32, #tpu.memory_space<vmem>>[vector<16xi32>], vector<16xf32>,
      %get3A_96 = arith.constant 48 : index
      %get3A_97 = tpu.vector_load %arg8[%get3A_96] {strides = array<i32>} : memref<128xi32, #tpu.memory_space<vmem>>, vector<16xi32>,
      tpu.vector_store_idx %arg11[%get3A_97], %broadcast_in_dim3A_52 {add = true} : memref<10240xf32, #tpu.memory_space<vmem>>[vector<16xi32>], vector<16xf32>,
      %get3A_98 = arith.constant 64 : index
      %get3A_99 = tpu.vector_load %arg8[%get3A_98] {strides = array<i32>} : memref<128xi32, #tpu.memory_space<vmem>>, vector<16xi32>,
      tpu.vector_store_idx %arg11[%get3A_99], %broadcast_in_dim3A_52 {add = true} : memref<10240xf32, #tpu.memory_space<vmem>>[vector<16xi32>], vector<16xf32>,
      %get3A_100 = arith.constant 80 : index
      %get3A_101 = tpu.vector_load %arg8[%get3A_100] {strides = array<i32>} : memref<128xi32, #tpu.memory_space<vmem>>, vector<16xi32>,
      tpu.vector_store_idx %arg11[%get3A_101], %broadcast_in_dim3A_52 {add = true} : memref<10240xf32, #tpu.memory_space<vmem>>[vector<16xi32>], vector<16xf32>,
      %get3A_102 = arith.constant 96 : index
      %get3A_103 = tpu.vector_load %arg8[%get3A_102] {strides = array<i32>} : memref<128xi32, #tpu.memory_space<vmem>>, vector<16xi32>,
      tpu.vector_store_idx %arg11[%get3A_103], %broadcast_in_dim3A_52 {add = true} : memref<10240xf32, #tpu.memory_space<vmem>>[vector<16xi32>], vector<16xf32>,
      %get3A_104 = arith.constant 112 : index
      %get3A_105 = tpu.vector_load %arg8[%get3A_104] {strides = array<i32>} : memref<128xi32, #tpu.memory_space<vmem>>, vector<16xi32>,
      tpu.vector_store_idx %arg11[%get3A_105], %broadcast_in_dim3A_52 {add = true} : memref<10240xf32, #tpu.memory_space<vmem>>[vector<16xi32>], vector<16xf32>,
    }
    %barrier3A_75 = arith.constant 0 : index
    tpu.barrier barrier_id(%barrier3A_75)
    %mul3A_76 = arith.constant 640 : i32
    %mul3A_77 = arith.muli %arg1, %mul3A_76 : i32
    %mul3A_78 = arith.constant 10240 : i32
    %mul3A_79 = arith.muli %arg0, %mul3A_78 : i32
    %mul3A_80 = arith.constant 640 : i32
    %mul3A_81 = arith.muli %arg1, %mul3A_80 : i32
    %add3A_82 = arith.addi %mul3A_79, %mul3A_81 : i32
    "tpu.region"() ({
      %run_scoped3A = tpu.sem_alloc : memref<!tpu.dma_semaphore, #tpu.memory_space<semaphore_mem>>
      %dma_start3A = arith.constant 0 : i32
      %dma_start3A_83 = tpu.memref_slice %arg5[%add3A_82, %dma_start3A] : memref<20480x128xf32, #tpu.memory_space<hbm>> -> memref<640x128xf32, #tpu.memory_space<hbm>>
      %dma_start3A_84 = arith.constant 0 : i32
      %dma_start3A_85 = tpu.memref_slice %arg12[%mul3A_77, %dma_start3A_84] : memref<10240x128xf32, #tpu.memory_space<vmem_shared>> -> memref<640x128xf32, #tpu.memory_space<vmem_shared>>
      tpu.enqueue_dma source(%dma_start3A_85 : memref<640x128xf32, #tpu.memory_space<vmem_shared>>) target(%dma_start3A_83 : memref<640x128xf32, #tpu.memory_space<hbm>>) target_semaphore(%run_scoped3A : memref<!tpu.dma_semaphore, #tpu.memory_space<semaphore_mem>>)
      %dma_wait3A = arith.constant 0 : i32
      %dma_wait3A_86 = tpu.memref_slice %arg5[%add3A_82, %dma_wait3A] : memref<20480x128xf32, #tpu.memory_space<hbm>> -> memref<640x128xf32, #tpu.memory_space<hbm>>
      %dma_wait3A_87 = arith.constant 0 : i32
      %dma_wait3A_88 = tpu.memref_slice %arg12[%mul3A_77, %dma_wait3A_87] : memref<10240x128xf32, #tpu.memory_space<vmem_shared>> -> memref<640x128xf32, #tpu.memory_space<vmem_shared>>
      tpu.wait_dma2 semaphore(%run_scoped3A : memref<!tpu.dma_semaphore, #tpu.memory_space<semaphore_mem>>) src(%dma_wait3A_88 : memref<640x128xf32, #tpu.memory_space<vmem_shared>>) dst(%dma_wait3A_86 : memref<640x128xf32, #tpu.memory_space<hbm>>)
      tpu.yield
    }) : () -> ()
    "tpu.region"() ({
      %run_scoped3A = tpu.sem_alloc : memref<!tpu.dma_semaphore, #tpu.memory_space<semaphore_mem>>
      %dma_start3A = arith.constant 0 : i32
      %dma_start3A_83 = tpu.memref_slice %arg6[%add3A, %dma_start3A] : memref<32x10240xf32, #tpu.memory_space<hbm>> -> memref<1x10240xf32, #tpu.memory_space<hbm>>
      %dma_start3A_84 = tpu.memref_squeeze %dma_start3A_83 : memref<1x10240xf32, #tpu.memory_space<hbm>> -> memref<10240xf32, #tpu.memory_space<hbm>>
      %dma_start3A_85 = arith.constant 0 : i32
      %dma_start3A_86 = tpu.memref_slice %arg6[%add3A, %dma_start3A_85] : memref<32x10240xf32, #tpu.memory_space<hbm>> -> memref<1x10240xf32, #tpu.memory_space<hbm>>
      %dma_start3A_87 = tpu.memref_squeeze %dma_start3A_86 : memref<1x10240xf32, #tpu.memory_space<hbm>> -> memref<10240xf32, #tpu.memory_space<hbm>>
      tpu.enqueue_dma source(%arg11 : memref<10240xf32, #tpu.memory_space<vmem>>) target(%dma_start3A_87 : memref<10240xf32, #tpu.memory_space<hbm>>) target_semaphore(%run_scoped3A : memref<!tpu.dma_semaphore, #tpu.memory_space<semaphore_mem>>)
      %dma_wait3A = arith.constant 0 : i32
      %dma_wait3A_88 = tpu.memref_slice %arg6[%add3A, %dma_wait3A] : memref<32x10240xf32, #tpu.memory_space<hbm>> -> memref<1x10240xf32, #tpu.memory_space<hbm>>
      %dma_wait3A_89 = tpu.memref_squeeze %dma_wait3A_88 : memref<1x10240xf32, #tpu.memory_space<hbm>> -> memref<10240xf32, #tpu.memory_space<hbm>>
      %dma_wait3A_90 = arith.constant 0 : i32
      %dma_wait3A_91 = tpu.memref_slice %arg6[%add3A, %dma_wait3A_90] : memref<32x10240xf32, #tpu.memory_space<hbm>> -> memref<1x10240xf32, #tpu.memory_space<hbm>>
      %dma_wait3A_92 = tpu.memref_squeeze %dma_wait3A_91 : memref<1x10240xf32, #tpu.memory_space<hbm>> -> memref<10240xf32, #tpu.memory_space<hbm>>
      tpu.wait_dma2 semaphore(%run_scoped3A : memref<!tpu.dma_semaphore, #tpu.memory_space<semaphore_mem>>) src(%arg11 : memref<10240xf32, #tpu.memory_space<vmem>>) dst(%dma_wait3A_92 : memref<10240xf32, #tpu.memory_space<hbm>>)
      tpu.yield
    }) : () -> ()
    return
  }
}

module attributes {stable_mosaic.version = 14 : i64} {
  func.func @_tc1_body(%arg0: i32, %arg1: memref<1024x128xf32, #tpu.memory_space<vmem>>, %arg2: memref<128x128xf32, #tpu.memory_space<vmem>>, %arg3: memref<128x128xf32, #tpu.memory_space<vmem>>, %arg4: memref<1024x128xf32, #tpu.memory_space<vmem>>, %arg5: memref<1024x128xf32, #tpu.memory_space<vmem>>) attributes {dimension_semantics = [#tpu.dimension_semantics<arbitrary>], iteration_bounds = array<i64: 10>, scalar_prefetch = 0 : i64, scratch_operands = 0 : i64, tpu.core_type = #tpu.core_type<tc>, window_params = [{transform_indices = @transform_0, window_bounds = array<i64: 1024, 128>}, {pipeline_mode = #tpu.pipeline_mode<synchronous>, transform_indices = @transform_1, window_bounds = array<i64: 128, 128>}, {pipeline_mode = #tpu.pipeline_mode<synchronous>, transform_indices = @transform_2, window_bounds = array<i64: 128, 128>}, {transform_indices = @transform_3, window_bounds = array<i64: 1024, 128>}, {transform_indices = @transform_4, window_bounds = array<i64: 1024, 128>}]} {
    %get3A = arith.constant 0 : index
    %get3A_0 = arith.constant 0 : index
    %get3A_1 = vector.load %arg1[%get3A, %get3A_0] : memref<1024x128xf32, #tpu.memory_space<vmem>>, vector<1024x128xf32>
    %get3A_2 = arith.constant 0 : index
    %get3A_3 = arith.constant 0 : index
    %get3A_4 = vector.load %arg2[%get3A_2, %get3A_3] : memref<128x128xf32, #tpu.memory_space<vmem>>, vector<128x128xf32>
    %dot_general3A = arith.constant dense<0.000000e+00> : vector<1024x128xf32>
    %dot_general3A_5 = tpu.matmul %get3A_1, %get3A_4, %dot_general3A {dimension_numbers = #tpu.dot_dimension_numbers<[1], [0], [0], [1], [0, 0, 1, 1], [], []>, transpose_lhs_hint = false} : vector<1024x128xf32>, vector<128x128xf32>, vector<1024x128xf32> -> vector<1024x128xf32>
    %swap3A = arith.constant 0 : index
    %swap3A_6 = arith.constant 0 : index
    %swap3A_7 = vector.load %arg4[%swap3A, %swap3A_6] : memref<1024x128xf32, #tpu.memory_space<vmem>>, vector<1024x128xf32>
    tpu.vector_store %arg4[%swap3A, %swap3A_6], %dot_general3A_5 {strides = array<i32>} : memref<1024x128xf32, #tpu.memory_space<vmem>>, vector<1024x128xf32>,
    %get3A_8 = arith.constant 0 : index
    %get3A_9 = arith.constant 0 : index
    %get3A_10 = vector.load %arg3[%get3A_8, %get3A_9] : memref<128x128xf32, #tpu.memory_space<vmem>>, vector<128x128xf32>
    %dot_general3A_11 = arith.constant dense<0.000000e+00> : vector<1024x128xf32>
    %dot_general3A_12 = tpu.matmul %get3A_1, %get3A_10, %dot_general3A_11 {dimension_numbers = #tpu.dot_dimension_numbers<[1], [0], [0], [1], [0, 0, 1, 1], [], []>, transpose_lhs_hint = false} : vector<1024x128xf32>, vector<128x128xf32>, vector<1024x128xf32> -> vector<1024x128xf32>
    %swap3A_13 = arith.constant 0 : index
    %swap3A_14 = arith.constant 0 : index
    %swap3A_15 = vector.load %arg5[%swap3A_13, %swap3A_14] : memref<1024x128xf32, #tpu.memory_space<vmem>>, vector<1024x128xf32>
    tpu.vector_store %arg5[%swap3A_13, %swap3A_14], %dot_general3A_12 {strides = array<i32>} : memref<1024x128xf32, #tpu.memory_space<vmem>>, vector<1024x128xf32>,
    return
  }
  func.func @transform_0(%arg0: i32) -> (i32, i32) {
    %c0_i32 = arith.constant 0 : i32
    %c0_i32_0 = arith.constant 0 : i32
    return %arg0, %c0_i32 : i32, i32
  }
  func.func @transform_1(%arg0: i32) -> (i32, i32) {
    %c0_i32 = arith.constant 0 : i32
    %c0_i32_0 = arith.constant 0 : i32
    %c0_i32_1 = arith.constant 0 : i32
    return %c0_i32, %c0_i32_0 : i32, i32
  }
  func.func @transform_2(%arg0: i32) -> (i32, i32) {
    %c0_i32 = arith.constant 0 : i32
    %c0_i32_0 = arith.constant 0 : i32
    %c0_i32_1 = arith.constant 0 : i32
    return %c0_i32, %c0_i32_0 : i32, i32
  }
  func.func @transform_3(%arg0: i32) -> (i32, i32) {
    %c0_i32 = arith.constant 0 : i32
    %c0_i32_0 = arith.constant 0 : i32
    return %arg0, %c0_i32 : i32, i32
  }
  func.func @transform_4(%arg0: i32) -> (i32, i32) {
    %c0_i32 = arith.constant 0 : i32
    %c0_i32_0 = arith.constant 0 : i32
    return %arg0, %c0_i32 : i32, i32
  }
}

module attributes {stable_mosaic.version = 14 : i64} {
  func.func @_tc3_body(%arg0: i32, %arg1: memref<2x1024x128xf32, #tpu.memory_space<vmem>>, %arg2: memref<32x1024xf32, #tpu.memory_space<vmem>>, %arg3: memref<1024x128xf32, #tpu.memory_space<vmem>>, %arg4: memref<1x128xf32, #tpu.memory_space<vmem>>, %arg5: memref<1x1x1024xi32, #tpu.memory_space<vmem>>, %arg6: memref<16x128xf32, #tpu.memory_space<vmem>>, %arg7: memref<256x128xf32, #tpu.memory_space<vmem>>, %arg8: memref<1x128xf32, #tpu.memory_space<vmem>>, %arg9: memref<128x64xf32, #tpu.memory_space<vmem>>, %arg10: memref<1x64xf32, #tpu.memory_space<vmem>>, %arg11: memref<64x10xf32, #tpu.memory_space<vmem>>, %arg12: memref<1x10xf32, #tpu.memory_space<vmem>>, %arg13: memref<16x10xf32, #tpu.memory_space<vmem>>, %arg14: memref<16x128xf32, #tpu.memory_space<vmem>>) attributes {dimension_semantics = [#tpu.dimension_semantics<arbitrary>], iteration_bounds = array<i64: 10>, scalar_prefetch = 0 : i64, scratch_operands = 1 : i64, tpu.core_type = #tpu.core_type<tc>, window_params = [{transform_indices = @transform_0, window_bounds = array<i64: 2, 1024, 128>}, {transform_indices = @transform_1, window_bounds = array<i64: 32, 1024>}, {transform_indices = @transform_2, window_bounds = array<i64: 1024, 128>}, {pipeline_mode = #tpu.pipeline_mode<synchronous>, transform_indices = @transform_3, window_bounds = array<i64: 1, 128>}, {transform_indices = @transform_4, window_bounds = array<i64: 1, 1, 1024>}, {pipeline_mode = #tpu.pipeline_mode<synchronous>, transform_indices = @transform_5, window_bounds = array<i64: 16, 128>}, {pipeline_mode = #tpu.pipeline_mode<synchronous>, transform_indices = @transform_6, window_bounds = array<i64: 256, 128>}, {pipeline_mode = #tpu.pipeline_mode<synchronous>, transform_indices = @transform_7, window_bounds = array<i64: 1, 128>}, {pipeline_mode = #tpu.pipeline_mode<synchronous>, transform_indices = @transform_8, window_bounds = array<i64: 128, 64>}, {pipeline_mode = #tpu.pipeline_mode<synchronous>, transform_indices = @transform_9, window_bounds = array<i64: 1, 64>}, {pipeline_mode = #tpu.pipeline_mode<synchronous>, transform_indices = @transform_10, window_bounds = array<i64: 64, 10>}, {pipeline_mode = #tpu.pipeline_mode<synchronous>, transform_indices = @transform_11, window_bounds = array<i64: 1, 10>}, {pipeline_mode = #tpu.pipeline_mode<synchronous>, transform_indices = @transform_12, window_bounds = array<i64: 16, 10>}]} {
    %get3A = arith.constant 0 : index
    %get3A_0 = arith.constant 0 : index
    %get3A_1 = vector.load %arg2[%get3A, %get3A_0] : memref<32x1024xf32, #tpu.memory_space<vmem>>, vector<32x1024xf32>
    %reduce_sum3A = arith.constant dense<0.000000e+00> : vector<1024xf32>
    %reduce_sum3A_2 = vector.multi_reduction <add>, %get3A_1, %reduce_sum3A [0] : vector<32x1024xf32> to vector<1024xf32>
    %get3A_3 = arith.constant 0 : index
    %get3A_4 = arith.constant 0 : index
    %get3A_5 = arith.constant 0 : index
    %get3A_6 = vector.load %arg1[%get3A_3, %get3A_4, %get3A_5] : memref<2x1024x128xf32, #tpu.memory_space<vmem>>, vector<1x1024x128xf32>
    %get3A_7 = vector.shape_cast %get3A_6 : vector<1x1024x128xf32> to vector<1024x128xf32>
    %get3A_8 = arith.constant 1 : index
    %get3A_9 = arith.constant 0 : index
    %get3A_10 = arith.constant 0 : index
    %get3A_11 = vector.load %arg1[%get3A_8, %get3A_9, %get3A_10] : memref<2x1024x128xf32, #tpu.memory_space<vmem>>, vector<1x1024x128xf32>
    %get3A_12 = vector.shape_cast %get3A_11 : vector<1x1024x128xf32> to vector<1024x128xf32>
    %add3A = arith.addf %get3A_7, %get3A_12 : vector<1024x128xf32>
    %max3A = arith.constant 1.000000e+00 : f32
    %max3A_13 = vector.broadcast %max3A : f32 to vector<1024xf32>
    %max3A_14 = arith.maximumf %reduce_sum3A_2, %max3A_13 : vector<1024xf32>
    %broadcast_in_dim3A = vector.shape_cast %max3A_14 : vector<1024xf32> to vector<1024x1xf32>
    %div3A = vector.broadcast %broadcast_in_dim3A : vector<1024x1xf32> to vector<1024x128xf32>
    %div3A_15 = arith.divf %add3A, %div3A : vector<1024x128xf32>
    %get3A_16 = arith.constant 0 : index
    %get3A_17 = arith.constant 0 : index
    %get3A_18 = vector.load %arg4[%get3A_16, %get3A_17] : memref<1x128xf32, #tpu.memory_space<vmem>>, vector<1x128xf32>
    %add3A_19 = vector.broadcast %get3A_18 : vector<1x128xf32> to vector<1024x128xf32>
    %add3A_20 = arith.addf %div3A_15, %add3A_19 : vector<1024x128xf32>
    %get3A_21 = arith.constant 0 : index
    %get3A_22 = arith.constant 0 : index
    %get3A_23 = vector.load %arg3[%get3A_21, %get3A_22] : memref<1024x128xf32, #tpu.memory_space<vmem>>, vector<1024x128xf32>
    %add3A_24 = arith.addf %add3A_20, %get3A_23 : vector<1024x128xf32>
    %max3A_25 = arith.constant 0.000000e+00 : f32
    %max3A_26 = vector.broadcast %max3A_25 : f32 to vector<1024x128xf32>
    %max3A_27 = arith.maximumf %add3A_24, %max3A_26 : vector<1024x128xf32>
    %eq3A = arith.constant 0 : i32
    %eq3A_28 = arith.cmpi eq, %arg0, %eq3A : i32
    %convert_element_type3A = arith.extui %eq3A_28 : i1 to i32
    %cond3A = arith.constant 0 : i32
    %cond3A_29 = arith.cmpi ne, %convert_element_type3A, %cond3A : i32
    scf.if %cond3A_29 {
      %broadcast_in_dim3A_52 = arith.constant 0.000000e+00 : f32
      %broadcast_in_dim3A_53 = vector.broadcast %broadcast_in_dim3A_52 : f32 to vector<16x128xf32>
      %swap3A_54 = arith.constant 0 : index
      %swap3A_55 = arith.constant 0 : index
      %swap3A_56 = vector.load %arg14[%swap3A_54, %swap3A_55] : memref<16x128xf32, #tpu.memory_space<vmem>>, vector<16x128xf32>
      tpu.vector_store %arg14[%swap3A_54, %swap3A_55], %broadcast_in_dim3A_53 {strides = array<i32>} : memref<16x128xf32, #tpu.memory_space<vmem>>, vector<16x128xf32>,
    } else {
    }
    %get3A_30 = arith.constant 0 : index
    %get3A_31 = arith.constant 0 : index
    %get3A_32 = vector.load %arg14[%get3A_30, %get3A_31] : memref<16x128xf32, #tpu.memory_space<vmem>>, vector<16x128xf32>
    %get3A_33 = arith.constant 0 : index
    %get3A_34 = arith.constant 0 : index
    %get3A_35 = arith.constant 0 : index
    %get3A_36 = vector.load %arg5[%get3A_33, %get3A_34, %get3A_35] : memref<1x1x1024xi32, #tpu.memory_space<vmem>>, vector<1x1x1024xi32>
    %get3A_37 = vector.shape_cast %get3A_36 : vector<1x1x1024xi32> to vector<1024xi32>
    %iota3A = tpu.iota {dimensions = array<i32: 0>} : vector<16x1024xi32>
    %broadcast_in_dim3A_38 = vector.shape_cast %get3A_37 : vector<1024xi32> to vector<1x1024xi32>
    %eq3A_39 = vector.broadcast %broadcast_in_dim3A_38 : vector<1x1024xi32> to vector<16x1024xi32>
    %eq3A_40 = arith.cmpi eq, %iota3A, %eq3A_39 : vector<16x1024xi32>
    %convert_element_type3A_41 = arith.extui %eq3A_40 : vector<16x1024xi1> to vector<16x1024xi32>
    %convert_element_type3A_42 = arith.sitofp %convert_element_type3A_41 : vector<16x1024xi32> to vector<16x1024xf32>
    %dot_general3A = arith.constant dense<0.000000e+00> : vector<16x128xf32>
    %dot_general3A_43 = tpu.matmul %convert_element_type3A_42, %max3A_27, %dot_general3A {dimension_numbers = #tpu.dot_dimension_numbers<[1], [0], [0], [1], [0, 0, 1, 1], [], []>, transpose_lhs_hint = false} : vector<16x1024xf32>, vector<1024x128xf32>, vector<16x128xf32> -> vector<16x128xf32>
    %add3A_44 = arith.addf %get3A_32, %dot_general3A_43 : vector<16x128xf32>
    %swap3A = arith.constant 0 : index
    %swap3A_45 = arith.constant 0 : index
    %swap3A_46 = vector.load %arg14[%swap3A, %swap3A_45] : memref<16x128xf32, #tpu.memory_space<vmem>>, vector<16x128xf32>
    tpu.vector_store %arg14[%swap3A, %swap3A_45], %add3A_44 {strides = array<i32>} : memref<16x128xf32, #tpu.memory_space<vmem>>, vector<16x128xf32>,
    %eq3A_47 = arith.constant 9 : i32
    %eq3A_48 = arith.cmpi eq, %arg0, %eq3A_47 : i32
    %convert_element_type3A_49 = arith.extui %eq3A_48 : i1 to i32
    %cond3A_50 = arith.constant 0 : i32
    %cond3A_51 = arith.cmpi ne, %convert_element_type3A_49, %cond3A_50 : i32
    scf.if %cond3A_51 {
      %get3A_52 = arith.constant 0 : index
      %get3A_53 = arith.constant 0 : index
      %get3A_54 = vector.load %arg6[%get3A_52, %get3A_53] : memref<16x128xf32, #tpu.memory_space<vmem>>, vector<16x128xf32>
      %get3A_55 = arith.constant 0 : index
      %get3A_56 = arith.constant 0 : index
      %get3A_57 = vector.load %arg14[%get3A_55, %get3A_56] : memref<16x128xf32, #tpu.memory_space<vmem>>, vector<16x128xf32>
      %concatenate3A = tpu.concatenate %get3A_54, %get3A_57 in 1 : vector<16x128xf32>, vector<16x128xf32> -> vector<16x256xf32>
      %get3A_58 = arith.constant 0 : index
      %get3A_59 = arith.constant 0 : index
      %get3A_60 = vector.load %arg7[%get3A_58, %get3A_59] : memref<256x128xf32, #tpu.memory_space<vmem>>, vector<256x128xf32>
      %dot_general3A_61 = arith.constant dense<0.000000e+00> : vector<16x128xf32>
      %dot_general3A_62 = tpu.matmul %concatenate3A, %get3A_60, %dot_general3A_61 {dimension_numbers = #tpu.dot_dimension_numbers<[1], [0], [0], [1], [0, 0, 1, 1], [], []>, transpose_lhs_hint = false} : vector<16x256xf32>, vector<256x128xf32>, vector<16x128xf32> -> vector<16x128xf32>
      %get3A_63 = arith.constant 0 : index
      %get3A_64 = arith.constant 0 : index
      %get3A_65 = vector.load %arg8[%get3A_63, %get3A_64] : memref<1x128xf32, #tpu.memory_space<vmem>>, vector<1x128xf32>
      %add3A_66 = vector.broadcast %get3A_65 : vector<1x128xf32> to vector<16x128xf32>
      %add3A_67 = arith.addf %dot_general3A_62, %add3A_66 : vector<16x128xf32>
      %max3A_68 = arith.constant 0.000000e+00 : f32
      %max3A_69 = vector.broadcast %max3A_68 : f32 to vector<16x128xf32>
      %max3A_70 = arith.maximumf %add3A_67, %max3A_69 : vector<16x128xf32>
      %get3A_71 = arith.constant 0 : index
      %get3A_72 = arith.constant 0 : index
      %get3A_73 = vector.load %arg9[%get3A_71, %get3A_72] : memref<128x64xf32, #tpu.memory_space<vmem>>, vector<128x64xf32>
      %dot_general3A_74 = arith.constant dense<0.000000e+00> : vector<16x64xf32>
      %dot_general3A_75 = tpu.matmul %max3A_70, %get3A_73, %dot_general3A_74 {dimension_numbers = #tpu.dot_dimension_numbers<[1], [0], [0], [1], [0, 0, 1, 1], [], []>, transpose_lhs_hint = false} : vector<16x128xf32>, vector<128x64xf32>, vector<16x64xf32> -> vector<16x64xf32>
      %get3A_76 = arith.constant 0 : index
      %get3A_77 = arith.constant 0 : index
      %get3A_78 = vector.load %arg10[%get3A_76, %get3A_77] : memref<1x64xf32, #tpu.memory_space<vmem>>, vector<1x64xf32>
      %add3A_79 = vector.broadcast %get3A_78 : vector<1x64xf32> to vector<16x64xf32>
      %add3A_80 = arith.addf %dot_general3A_75, %add3A_79 : vector<16x64xf32>
      %max3A_81 = arith.constant 0.000000e+00 : f32
      %max3A_82 = vector.broadcast %max3A_81 : f32 to vector<16x64xf32>
      %max3A_83 = arith.maximumf %add3A_80, %max3A_82 : vector<16x64xf32>
      %get3A_84 = arith.constant 0 : index
      %get3A_85 = arith.constant 0 : index
      %get3A_86 = vector.load %arg11[%get3A_84, %get3A_85] : memref<64x10xf32, #tpu.memory_space<vmem>>, vector<64x10xf32>
      %dot_general3A_87 = arith.constant dense<0.000000e+00> : vector<16x10xf32>
      %dot_general3A_88 = tpu.matmul %max3A_83, %get3A_86, %dot_general3A_87 {dimension_numbers = #tpu.dot_dimension_numbers<[1], [0], [0], [1], [0, 0, 1, 1], [], []>, transpose_lhs_hint = false} : vector<16x64xf32>, vector<64x10xf32>, vector<16x10xf32> -> vector<16x10xf32>
      %get3A_89 = arith.constant 0 : index
      %get3A_90 = arith.constant 0 : index
      %get3A_91 = vector.load %arg12[%get3A_89, %get3A_90] : memref<1x10xf32, #tpu.memory_space<vmem>>, vector<1x10xf32>
      %add3A_92 = vector.broadcast %get3A_91 : vector<1x10xf32> to vector<16x10xf32>
      %add3A_93 = arith.addf %dot_general3A_88, %add3A_92 : vector<16x10xf32>
      %reduce_max3A = arith.constant dense<0xFF800000> : vector<16xf32>
      %reduce_max3A_94 = vector.multi_reduction <maximumf>, %add3A_93, %reduce_max3A [1] : vector<16x10xf32> to vector<16xf32>
      %broadcast_in_dim3A_95 = vector.shape_cast %reduce_max3A_94 : vector<16xf32> to vector<16x1xf32>
      %sub3A = vector.broadcast %broadcast_in_dim3A_95 : vector<16x1xf32> to vector<16x10xf32>
      %sub3A_96 = arith.subf %add3A_93, %sub3A : vector<16x10xf32>
      %exp3A = math.exp %sub3A_96 : vector<16x10xf32>
      %reduce_sum3A_97 = arith.constant dense<0.000000e+00> : vector<16xf32>
      %reduce_sum3A_98 = vector.multi_reduction <add>, %exp3A, %reduce_sum3A_97 [1] : vector<16x10xf32> to vector<16xf32>
      %broadcast_in_dim3A_99 = vector.shape_cast %reduce_sum3A_98 : vector<16xf32> to vector<16x1xf32>
      %log3A = math.log %broadcast_in_dim3A_99 : vector<16x1xf32>
      %add3A_100 = arith.addf %log3A, %broadcast_in_dim3A_95 : vector<16x1xf32>
      %sub3A_101 = vector.broadcast %add3A_100 : vector<16x1xf32> to vector<16x10xf32>
      %sub3A_102 = arith.subf %add3A_93, %sub3A_101 : vector<16x10xf32>
      %swap3A_103 = arith.constant 0 : index
      %swap3A_104 = arith.constant 0 : index
      %swap3A_105 = vector.load %arg13[%swap3A_103, %swap3A_104] : memref<16x10xf32, #tpu.memory_space<vmem>>, vector<16x10xf32>
      tpu.vector_store %arg13[%swap3A_103, %swap3A_104], %sub3A_102 {strides = array<i32>} : memref<16x10xf32, #tpu.memory_space<vmem>>, vector<16x10xf32>,
    } else {
    }
    return
  }
  func.func @transform_0(%arg0: i32) -> (i32, i32, i32) {
    %c0_i32 = arith.constant 0 : i32
    %c0_i32_0 = arith.constant 0 : i32
    %c0_i32_1 = arith.constant 0 : i32
    return %c0_i32, %arg0, %c0_i32_0 : i32, i32, i32
  }
  func.func @transform_1(%arg0: i32) -> (i32, i32) {
    %c0_i32 = arith.constant 0 : i32
    %c0_i32_0 = arith.constant 0 : i32
    return %c0_i32, %arg0 : i32, i32
  }
  func.func @transform_2(%arg0: i32) -> (i32, i32) {
    %c0_i32 = arith.constant 0 : i32
    %c0_i32_0 = arith.constant 0 : i32
    return %arg0, %c0_i32 : i32, i32
  }
  func.func @transform_3(%arg0: i32) -> (i32, i32) {
    %c0_i32 = arith.constant 0 : i32
    %c0_i32_0 = arith.constant 0 : i32
    %c0_i32_1 = arith.constant 0 : i32
    return %c0_i32, %c0_i32_0 : i32, i32
  }
  func.func @transform_4(%arg0: i32) -> (i32, i32, i32) {
    %c0_i32 = arith.constant 0 : i32
    %c0_i32_0 = arith.constant 0 : i32
    %c0_i32_1 = arith.constant 0 : i32
    return %arg0, %c0_i32, %c0_i32_0 : i32, i32, i32
  }
  func.func @transform_5(%arg0: i32) -> (i32, i32) {
    %c0_i32 = arith.constant 0 : i32
    %c0_i32_0 = arith.constant 0 : i32
    %c0_i32_1 = arith.constant 0 : i32
    return %c0_i32, %c0_i32_0 : i32, i32
  }
  func.func @transform_6(%arg0: i32) -> (i32, i32) {
    %c0_i32 = arith.constant 0 : i32
    %c0_i32_0 = arith.constant 0 : i32
    %c0_i32_1 = arith.constant 0 : i32
    return %c0_i32, %c0_i32_0 : i32, i32
  }
  func.func @transform_7(%arg0: i32) -> (i32, i32) {
    %c0_i32 = arith.constant 0 : i32
    %c0_i32_0 = arith.constant 0 : i32
    %c0_i32_1 = arith.constant 0 : i32
    return %c0_i32, %c0_i32_0 : i32, i32
  }
  func.func @transform_8(%arg0: i32) -> (i32, i32) {
    %c0_i32 = arith.constant 0 : i32
    %c0_i32_0 = arith.constant 0 : i32
    %c0_i32_1 = arith.constant 0 : i32
    return %c0_i32, %c0_i32_0 : i32, i32
  }
  func.func @transform_9(%arg0: i32) -> (i32, i32) {
    %c0_i32 = arith.constant 0 : i32
    %c0_i32_0 = arith.constant 0 : i32
    %c0_i32_1 = arith.constant 0 : i32
    return %c0_i32, %c0_i32_0 : i32, i32
  }
  func.func @transform_10(%arg0: i32) -> (i32, i32) {
    %c0_i32 = arith.constant 0 : i32
    %c0_i32_0 = arith.constant 0 : i32
    %c0_i32_1 = arith.constant 0 : i32
    return %c0_i32, %c0_i32_0 : i32, i32
  }
  func.func @transform_11(%arg0: i32) -> (i32, i32) {
    %c0_i32 = arith.constant 0 : i32
    %c0_i32_0 = arith.constant 0 : i32
    %c0_i32_1 = arith.constant 0 : i32
    return %c0_i32, %c0_i32_0 : i32, i32
  }
  func.func @transform_12(%arg0: i32) -> (i32, i32) {
    %c0_i32 = arith.constant 0 : i32
    %c0_i32_0 = arith.constant 0 : i32
    %c0_i32_1 = arith.constant 0 : i32
    return %c0_i32, %c0_i32_0 : i32, i32
  }
}

module attributes {stable_mosaic.version = 14 : i64} {
  func.func @_tc2_body(%arg0: i32, %arg1: memref<2x1024x128xf32, #tpu.memory_space<vmem>>, %arg2: memref<32x1024xf32, #tpu.memory_space<vmem>>, %arg3: memref<1024x128xf32, #tpu.memory_space<vmem>>, %arg4: memref<1x128xf32, #tpu.memory_space<vmem>>, %arg5: memref<1x1x1024xi32, #tpu.memory_space<vmem>>, %arg6: memref<128x128xf32, #tpu.memory_space<vmem>>, %arg7: memref<128x128xf32, #tpu.memory_space<vmem>>, %arg8: memref<1024x128xf32, #tpu.memory_space<vmem>>, %arg9: memref<1024x128xf32, #tpu.memory_space<vmem>>, %arg10: memref<16x128xf32, #tpu.memory_space<vmem>>) attributes {dimension_semantics = [#tpu.dimension_semantics<arbitrary>], iteration_bounds = array<i64: 10>, scalar_prefetch = 0 : i64, scratch_operands = 0 : i64, tpu.core_type = #tpu.core_type<tc>, window_params = [{transform_indices = @transform_0, window_bounds = array<i64: 2, 1024, 128>}, {transform_indices = @transform_1, window_bounds = array<i64: 32, 1024>}, {transform_indices = @transform_2, window_bounds = array<i64: 1024, 128>}, {pipeline_mode = #tpu.pipeline_mode<synchronous>, transform_indices = @transform_3, window_bounds = array<i64: 1, 128>}, {transform_indices = @transform_4, window_bounds = array<i64: 1, 1, 1024>}, {pipeline_mode = #tpu.pipeline_mode<synchronous>, transform_indices = @transform_5, window_bounds = array<i64: 128, 128>}, {pipeline_mode = #tpu.pipeline_mode<synchronous>, transform_indices = @transform_6, window_bounds = array<i64: 128, 128>}, {transform_indices = @transform_7, window_bounds = array<i64: 1024, 128>}, {transform_indices = @transform_8, window_bounds = array<i64: 1024, 128>}, {pipeline_mode = #tpu.pipeline_mode<synchronous>, transform_indices = @transform_9, window_bounds = array<i64: 16, 128>}]} {
    %get3A = arith.constant 0 : index
    %get3A_0 = arith.constant 0 : index
    %get3A_1 = vector.load %arg2[%get3A, %get3A_0] : memref<32x1024xf32, #tpu.memory_space<vmem>>, vector<32x1024xf32>
    %reduce_sum3A = arith.constant dense<0.000000e+00> : vector<1024xf32>
    %reduce_sum3A_2 = vector.multi_reduction <add>, %get3A_1, %reduce_sum3A [0] : vector<32x1024xf32> to vector<1024xf32>
    %get3A_3 = arith.constant 0 : index
    %get3A_4 = arith.constant 0 : index
    %get3A_5 = arith.constant 0 : index
    %get3A_6 = vector.load %arg1[%get3A_3, %get3A_4, %get3A_5] : memref<2x1024x128xf32, #tpu.memory_space<vmem>>, vector<1x1024x128xf32>
    %get3A_7 = vector.shape_cast %get3A_6 : vector<1x1024x128xf32> to vector<1024x128xf32>
    %get3A_8 = arith.constant 1 : index
    %get3A_9 = arith.constant 0 : index
    %get3A_10 = arith.constant 0 : index
    %get3A_11 = vector.load %arg1[%get3A_8, %get3A_9, %get3A_10] : memref<2x1024x128xf32, #tpu.memory_space<vmem>>, vector<1x1024x128xf32>
    %get3A_12 = vector.shape_cast %get3A_11 : vector<1x1024x128xf32> to vector<1024x128xf32>
    %add3A = arith.addf %get3A_7, %get3A_12 : vector<1024x128xf32>
    %max3A = arith.constant 1.000000e+00 : f32
    %max3A_13 = vector.broadcast %max3A : f32 to vector<1024xf32>
    %max3A_14 = arith.maximumf %reduce_sum3A_2, %max3A_13 : vector<1024xf32>
    %broadcast_in_dim3A = vector.shape_cast %max3A_14 : vector<1024xf32> to vector<1024x1xf32>
    %div3A = vector.broadcast %broadcast_in_dim3A : vector<1024x1xf32> to vector<1024x128xf32>
    %div3A_15 = arith.divf %add3A, %div3A : vector<1024x128xf32>
    %get3A_16 = arith.constant 0 : index
    %get3A_17 = arith.constant 0 : index
    %get3A_18 = vector.load %arg4[%get3A_16, %get3A_17] : memref<1x128xf32, #tpu.memory_space<vmem>>, vector<1x128xf32>
    %add3A_19 = vector.broadcast %get3A_18 : vector<1x128xf32> to vector<1024x128xf32>
    %add3A_20 = arith.addf %div3A_15, %add3A_19 : vector<1024x128xf32>
    %get3A_21 = arith.constant 0 : index
    %get3A_22 = arith.constant 0 : index
    %get3A_23 = vector.load %arg3[%get3A_21, %get3A_22] : memref<1024x128xf32, #tpu.memory_space<vmem>>, vector<1024x128xf32>
    %add3A_24 = arith.addf %add3A_20, %get3A_23 : vector<1024x128xf32>
    %max3A_25 = arith.constant 0.000000e+00 : f32
    %max3A_26 = vector.broadcast %max3A_25 : f32 to vector<1024x128xf32>
    %max3A_27 = arith.maximumf %add3A_24, %max3A_26 : vector<1024x128xf32>
    %get3A_28 = arith.constant 0 : index
    %get3A_29 = arith.constant 0 : index
    %get3A_30 = vector.load %arg6[%get3A_28, %get3A_29] : memref<128x128xf32, #tpu.memory_space<vmem>>, vector<128x128xf32>
    %dot_general3A = arith.constant dense<0.000000e+00> : vector<1024x128xf32>
    %dot_general3A_31 = tpu.matmul %max3A_27, %get3A_30, %dot_general3A {dimension_numbers = #tpu.dot_dimension_numbers<[1], [0], [0], [1], [0, 0, 1, 1], [], []>, transpose_lhs_hint = false} : vector<1024x128xf32>, vector<128x128xf32>, vector<1024x128xf32> -> vector<1024x128xf32>
    %swap3A = arith.constant 0 : index
    %swap3A_32 = arith.constant 0 : index
    %swap3A_33 = vector.load %arg8[%swap3A, %swap3A_32] : memref<1024x128xf32, #tpu.memory_space<vmem>>, vector<1024x128xf32>
    tpu.vector_store %arg8[%swap3A, %swap3A_32], %dot_general3A_31 {strides = array<i32>} : memref<1024x128xf32, #tpu.memory_space<vmem>>, vector<1024x128xf32>,
    %get3A_34 = arith.constant 0 : index
    %get3A_35 = arith.constant 0 : index
    %get3A_36 = vector.load %arg7[%get3A_34, %get3A_35] : memref<128x128xf32, #tpu.memory_space<vmem>>, vector<128x128xf32>
    %dot_general3A_37 = arith.constant dense<0.000000e+00> : vector<1024x128xf32>
    %dot_general3A_38 = tpu.matmul %max3A_27, %get3A_36, %dot_general3A_37 {dimension_numbers = #tpu.dot_dimension_numbers<[1], [0], [0], [1], [0, 0, 1, 1], [], []>, transpose_lhs_hint = false} : vector<1024x128xf32>, vector<128x128xf32>, vector<1024x128xf32> -> vector<1024x128xf32>
    %swap3A_39 = arith.constant 0 : index
    %swap3A_40 = arith.constant 0 : index
    %swap3A_41 = vector.load %arg9[%swap3A_39, %swap3A_40] : memref<1024x128xf32, #tpu.memory_space<vmem>>, vector<1024x128xf32>
    tpu.vector_store %arg9[%swap3A_39, %swap3A_40], %dot_general3A_38 {strides = array<i32>} : memref<1024x128xf32, #tpu.memory_space<vmem>>, vector<1024x128xf32>,
    %eq3A = arith.constant 0 : i32
    %eq3A_42 = arith.cmpi eq, %arg0, %eq3A : i32
    %convert_element_type3A = arith.extui %eq3A_42 : i1 to i32
    %cond3A = arith.constant 0 : i32
    %cond3A_43 = arith.cmpi ne, %convert_element_type3A, %cond3A : i32
    scf.if %cond3A_43 {
      %broadcast_in_dim3A_63 = arith.constant 0.000000e+00 : f32
      %broadcast_in_dim3A_64 = vector.broadcast %broadcast_in_dim3A_63 : f32 to vector<16x128xf32>
      %swap3A_65 = arith.constant 0 : index
      %swap3A_66 = arith.constant 0 : index
      %swap3A_67 = vector.load %arg10[%swap3A_65, %swap3A_66] : memref<16x128xf32, #tpu.memory_space<vmem>>, vector<16x128xf32>
      tpu.vector_store %arg10[%swap3A_65, %swap3A_66], %broadcast_in_dim3A_64 {strides = array<i32>} : memref<16x128xf32, #tpu.memory_space<vmem>>, vector<16x128xf32>,
    } else {
    }
    %get3A_44 = arith.constant 0 : index
    %get3A_45 = arith.constant 0 : index
    %get3A_46 = vector.load %arg10[%get3A_44, %get3A_45] : memref<16x128xf32, #tpu.memory_space<vmem>>, vector<16x128xf32>
    %get3A_47 = arith.constant 0 : index
    %get3A_48 = arith.constant 0 : index
    %get3A_49 = arith.constant 0 : index
    %get3A_50 = vector.load %arg5[%get3A_47, %get3A_48, %get3A_49] : memref<1x1x1024xi32, #tpu.memory_space<vmem>>, vector<1x1x1024xi32>
    %get3A_51 = vector.shape_cast %get3A_50 : vector<1x1x1024xi32> to vector<1024xi32>
    %iota3A = tpu.iota {dimensions = array<i32: 0>} : vector<16x1024xi32>
    %broadcast_in_dim3A_52 = vector.shape_cast %get3A_51 : vector<1024xi32> to vector<1x1024xi32>
    %eq3A_53 = vector.broadcast %broadcast_in_dim3A_52 : vector<1x1024xi32> to vector<16x1024xi32>
    %eq3A_54 = arith.cmpi eq, %iota3A, %eq3A_53 : vector<16x1024xi32>
    %convert_element_type3A_55 = arith.extui %eq3A_54 : vector<16x1024xi1> to vector<16x1024xi32>
    %convert_element_type3A_56 = arith.sitofp %convert_element_type3A_55 : vector<16x1024xi32> to vector<16x1024xf32>
    %dot_general3A_57 = arith.constant dense<0.000000e+00> : vector<16x128xf32>
    %dot_general3A_58 = tpu.matmul %convert_element_type3A_56, %max3A_27, %dot_general3A_57 {dimension_numbers = #tpu.dot_dimension_numbers<[1], [0], [0], [1], [0, 0, 1, 1], [], []>, transpose_lhs_hint = false} : vector<16x1024xf32>, vector<1024x128xf32>, vector<16x128xf32> -> vector<16x128xf32>
    %add3A_59 = arith.addf %get3A_46, %dot_general3A_58 : vector<16x128xf32>
    %swap3A_60 = arith.constant 0 : index
    %swap3A_61 = arith.constant 0 : index
    %swap3A_62 = vector.load %arg10[%swap3A_60, %swap3A_61] : memref<16x128xf32, #tpu.memory_space<vmem>>, vector<16x128xf32>
    tpu.vector_store %arg10[%swap3A_60, %swap3A_61], %add3A_59 {strides = array<i32>} : memref<16x128xf32, #tpu.memory_space<vmem>>, vector<16x128xf32>,
    return
  }
  func.func @transform_0(%arg0: i32) -> (i32, i32, i32) {
    %c0_i32 = arith.constant 0 : i32
    %c0_i32_0 = arith.constant 0 : i32
    %c0_i32_1 = arith.constant 0 : i32
    return %c0_i32, %arg0, %c0_i32_0 : i32, i32, i32
  }
  func.func @transform_1(%arg0: i32) -> (i32, i32) {
    %c0_i32 = arith.constant 0 : i32
    %c0_i32_0 = arith.constant 0 : i32
    return %c0_i32, %arg0 : i32, i32
  }
  func.func @transform_2(%arg0: i32) -> (i32, i32) {
    %c0_i32 = arith.constant 0 : i32
    %c0_i32_0 = arith.constant 0 : i32
    return %arg0, %c0_i32 : i32, i32
  }
  func.func @transform_3(%arg0: i32) -> (i32, i32) {
    %c0_i32 = arith.constant 0 : i32
    %c0_i32_0 = arith.constant 0 : i32
    %c0_i32_1 = arith.constant 0 : i32
    return %c0_i32, %c0_i32_0 : i32, i32
  }
  func.func @transform_4(%arg0: i32) -> (i32, i32, i32) {
    %c0_i32 = arith.constant 0 : i32
    %c0_i32_0 = arith.constant 0 : i32
    %c0_i32_1 = arith.constant 0 : i32
    return %arg0, %c0_i32, %c0_i32_0 : i32, i32, i32
  }
  func.func @transform_5(%arg0: i32) -> (i32, i32) {
    %c0_i32 = arith.constant 0 : i32
    %c0_i32_0 = arith.constant 0 : i32
    %c0_i32_1 = arith.constant 0 : i32
    return %c0_i32, %c0_i32_0 : i32, i32
  }
  func.func @transform_6(%arg0: i32) -> (i32, i32) {
    %c0_i32 = arith.constant 0 : i32
    %c0_i32_0 = arith.constant 0 : i32
    %c0_i32_1 = arith.constant 0 : i32
    return %c0_i32, %c0_i32_0 : i32, i32
  }
  func.func @transform_7(%arg0: i32) -> (i32, i32) {
    %c0_i32 = arith.constant 0 : i32
    %c0_i32_0 = arith.constant 0 : i32
    return %arg0, %c0_i32 : i32, i32
  }
  func.func @transform_8(%arg0: i32) -> (i32, i32) {
    %c0_i32 = arith.constant 0 : i32
    %c0_i32_0 = arith.constant 0 : i32
    return %arg0, %c0_i32 : i32, i32
  }
  func.func @transform_9(%arg0: i32) -> (i32, i32) {
    %c0_i32 = arith.constant 0 : i32
    %c0_i32_0 = arith.constant 0 : i32
    %c0_i32_1 = arith.constant 0 : i32
    return %c0_i32, %c0_i32_0 : i32, i32
  }
}

</mosaic_0001>

<sc_bundles>
// kernel: kernel.10.cloned.1.call-start
scs
__scs_entry_jumppad:
0x0: {  	(pc) =	sbr.rel $0x88, $3  }
0x1: {  	(tag) =	ssettag $0x0;
	lr =	simm.s32 $0x1  }
0x2: {  	[smem:$0x3F92] =	sst lr;
	_ =	strace $0xD0000000  }
0x3: {  	_ = 	snop  }
0x4: {  	_ = 	snop  }
0x5: {  	_ = 	snop  }
0x6: {  	_ = 	snop  }
0x7: {  	_ = 	snop  }
__scs_overlays_trampoline_lowered:
0x8: {  	[smem:$0x3FA1] =	sst s0  }
0x9: {  	[smem:$0x3FA2] =	sst s1  }
0xa: {  	[smem:$0x3FA3] =	sst s2  }
0xb: {  	[smem:$0x3FA4] =	sst s3  }
0xc: {  	[smem:$0x3FA5] =	sst s4  }
0xd: {  	[smem:$0x3FA6] =	sst s5  }
0xe: {  	[smem:$0x3FA7] =	sst s6  }
0xf: {  	[smem:$0x3FA8] =	sst s7  }
0x10: {  	[smem:$0x3FA9] =	sst s8  }
0x11: {  	[smem:$0x3FAA] =	sst s9;
	s0 =	simm.s32 @!p0 $0x0  }
0x12: {  	s1 =	sld [smem:$0x3F90];
	s0 =	simm.s32 @p0 $0x1  }
0x13: {  	[smem:$0x3FAB] =	sst s0;
	s0 =	simm.s32 @!p1 $0x0  }
0x14: {  	s2 =	sld [smem:$0x3F8F];
	s0 =	simm.s32 @p1 $0x1  }
0x15: {  	[smem:$0x3FAC] =	sst s0;
	s0 =	simm.s32 @!p2 $0x0  }
0x16: {  	s3 =	sld [smem:$0x3FDB];
	s0 =	simm.s32 @p2 $0x1  }
0x17: {  	s4 =	simm.s32 $0x1BF5;
	[smem:$0x3FAE] =	sst s0  }
0x18: {  	s0 =	sld [smem:$0x3F91];
	_ =	swait.ge [sflag:s4], $0x0  }
0x19: {  	s7 =	sld [smem:$0x3F92]  }
0x1a: {  	s8 =	sadd.s32 $0xFFFFE003, lr  }
0x1b: {  	s9 =	sadd.s32 $0xFFFFFEF7, lr;
	s5 =	simm.s32 $0xFFFFFFFF;
	p2 =	slt.u32 s8, $0xFFFFF086  }
0x1c: {  	p1 =	slt.u32 s9, $0xF7A;
	s5 =	simm.s32 @!p2 $0x0  }
0x1d: {  	s5 =	simm.s32 @p1 $0x1;
	p0 =	seq.s32 s7, s2  }
0x1e: {  	s7 =	smul.u32 @!p0 $0xF7A, s2;
	p2 =	seq.s32 @!p0 s5, $0x0  }
0x1f: {  	s9 =	smul.u32 $0xF7A, s1;
	s8 =	simm.s32 @!p0 $0x1BF5;
	p2 =	por !p2, p0  }
0x20: {  	[sflag:s8] =	ssyncset.s32 @!p0 $0xFFFFF086;
	s6 =	sadd.s32 @!p0 s3, s7;
	s7 =	simm.s32 @!p0 $0x108  }
0x21: {  	s3 =	sadd.s32 s3, s9;
	s6 =	sadd.s32 @!p0 $0x88, s6;
	s7 =	simm.s32 @p2 $0x1082  }
0x22: {  	[simem:s7], [sflag:s8] =	dma.local @!p0 [hbm:s6], $0xF7A  }
0x23: {  	s9 =	sor.u32 $0xD0000000, s2;
	s6 =	simm.s32 $0x108;
	_ =	swait.ge @!p0 [sflag:s8], $0x0  }
0x24: {  	s3 =	sadd.s32 $0x88, s3;
	s6 =	simm.s32 @!p1 $0x1082;
	[sflag:s4] =	ssyncset.s32 $0xFFFFF086  }
0x25: {  	[simem:s6], [sflag:s4] =	dma.local [hbm:s3], $0xF7A  }
0x26: {  	[smem:$0x3F92] =	sst s1;
	(tag) =	ssettag s2;
	_ =	strace s9  }
0x27: {  	s1 =	sld [smem:$0x3FA2]  }
0x28: {  	s2 =	sld [smem:$0x3FA3]  }
0x29: {  	s4 =	sld [smem:$0x3FA5]  }
0x2a: {  	p0 =	seq.s32 s5, $0x0;
	s5 =	sld [smem:$0x3FA6]  }
0x2b: {  	s6 =	sld [smem:$0x3FA7]  }
0x2c: {  	s7 =	sld [smem:$0x3FA8]  }
0x2d: {  	s3 =	simm.s32 $0x108;
	s8 =	sld [smem:$0x3FA9]  }
0x2e: {  	s3 =	simm.s32 @!p0 $0x1082;
	s9 =	sld [smem:$0x3FAA]  }
0x2f: {  	lr =	sadd.s32 s0, s3;
	s0 =	sld [smem:$0x3FA1]  }
0x30: {  	s3 =	sld [smem:$0x3FA4]  }
0x31: {  	[smem:$0x3FAD] =	sst s10  }
0x32: {  	s10 =	sld [smem:$0x3FAB];
	_ =	sdelay $0x3  }
0x33: {  	p0 =	seq.s32 s10, $0x1;
	s10 =	sld [smem:$0x3FAD];
	_ =	sdelay $0x3  }
0x34: {  	[smem:$0x3FAD] =	sst s10  }
0x35: {  	s10 =	sld [smem:$0x3FAC];
	_ =	sdelay $0x3  }
0x36: {  	p1 =	seq.s32 s10, $0x1;
	s10 =	sld [smem:$0x3FAD];
	_ =	sdelay $0x3  }
0x37: {  	[smem:$0x3FAD] =	sst s10  }
0x38: {  	s10 =	sld [smem:$0x3FAE]  }
0x39: {  	_ = 	snop;
	(pc) =	sbr.ind lr, $3  }
0x3a: {  	_ = 	snop  }
0x3b: {  	_ = 	snop  }
0x3c: {  	p2 =	seq.s32 s10, $0x1;
	s10 =	sld [smem:$0x3FAD]  }
0x3d: {  	_ =	shalt  }
0x3e: {  	_ =	shalt  }
0x3f: {  	_ =	shalt  }
0x40: {  	_ =	shalt  }
0x41: {  	_ =	shalt  }
0x42: {  	_ =	shalt  }
0x43: {  	_ =	shalt  }
0x44: {  	_ =	shalt  }
0x45: {  	_ =	shalt  }
0x46: {  	_ =	shalt  }
0x47: {  	_ =	shalt  }
0x48: {  	_ =	shalt  }
0x49: {  	_ =	shalt  }
0x4a: {  	_ =	shalt  }
0x4b: {  	_ =	shalt  }
0x4c: {  	_ =	shalt  }
0x4d: {  	_ =	shalt  }
0x4e: {  	_ =	shalt  }
0x4f: {  	_ =	shalt  }
0x50: {  	_ =	shalt  }
0x51: {  	_ =	shalt  }
0x52: {  	_ =	shalt  }
0x53: {  	_ =	shalt  }
0x54: {  	_ =	shalt  }
0x55: {  	_ =	shalt  }
0x56: {  	_ =	shalt  }
0x57: {  	_ =	shalt  }
0x58: {  	_ =	shalt  }
0x59: {  	_ =	shalt  }
0x5a: {  	_ =	shalt  }
0x5b: {  	_ =	shalt  }
0x5c: {  	_ =	shalt  }
0x5d: {  	_ =	shalt  }
0x5e: {  	_ =	shalt  }
0x5f: {  	_ =	shalt  }
0x60: {  	_ =	shalt  }
0x61: {  	_ =	shalt  }
0x62: {  	_ =	shalt  }
0x63: {  	_ =	shalt  }
0x64: {  	_ =	shalt  }
0x65: {  	_ =	shalt  }
0x66: {  	_ =	shalt  }
0x67: {  	_ =	shalt  }
0x68: {  	_ =	shalt  }
0x69: {  	_ =	shalt  }
0x6a: {  	_ =	shalt  }
0x6b: {  	_ =	shalt  }
0x6c: {  	_ =	shalt  }
0x6d: {  	_ =	shalt  }
0x6e: {  	_ =	shalt  }
0x6f: {  	_ =	shalt  }
0x70: {  	_ =	shalt  }
0x71: {  	_ =	shalt  }
0x72: {  	_ =	shalt  }
0x73: {  	_ =	shalt  }
0x74: {  	_ =	shalt  }
0x75: {  	_ =	shalt  }
0x76: {  	_ =	shalt  }
0x77: {  	_ =	shalt  }
0x78: {  	_ =	shalt  }
0x79: {  	_ =	shalt  }
0x7a: {  	_ =	shalt  }
0x7b: {  	_ =	shalt  }
0x7c: {  	_ =	shalt  }
0x7d: {  	_ =	shalt  }
0x7e: {  	_ =	shalt  }
0x7f: {  	_ =	shalt  }
0x80: {  	_ =	shalt  }
0x81: {  	_ =	shalt  }
0x82: {  	_ =	shalt  }
0x83: {  	_ =	shalt  }
0x84: {  	_ =	shalt  }
0x85: {  	_ =	shalt  }
0x86: {  	_ =	shalt  }
0x87: {  	_ =	shalt  }
.Lfunc_end0:
.L_simem_size_0:
called_computation.1_lowered:
.L_overlay_start_0:
0x88: {  	s2 =	sld [smem:$0x3FD9]  }
0x89: {  	s3 =	sld [smem:$0x3FFE];
	_ =	sdelay $0x1  }
0x8a: {  	s1 =	srdreg.scid  }
0x8b: {  	s0 =	sand.u32 $0x1, s1  }
0x8c: {  	s16 =	sshll.u32 s0, $0xA;
	s2 =	sadd.s32 s3, s2  }
0x8d: {  	s2 =	sadd.s32 s2, s16  }
0x8e: {  	[smem:$0x3FB9] =	sst s2  }
0x8f: {  	_ = 	snop  }
0x90: {  	(tm) =	ssettm $0x1  }
0x91: {  	s17 =	sld [smem:$0x3FFB];
	_ =	sdelay $0x3  }
0x92: {  	_ =	strace s17  }
0x93: {  	s2 =	sld [smem:$0x3FFC];
	_ =	sdelay $0x3  }
0x94: {  	_ =	strace s2  }
0x95: {  	s2 =	sld [smem:$0x3FFD];
	_ =	sdelay $0x3  }
0x96: {  	_ =	strace s2  }
0x97: {  	_ =	strace $0x8FFFFFFF  }
0x98: {  	s18 =	sld [smem:$0x3FDB];
	_ =	sdelay $0x1  }
0x99: {  	s19 =	simm.s32 $_scs_section_size  }
0x9a: {  	s4 =	simm.s32 $_size__tile_overlayer_lowered;
	s5 =	simm.s32 $_tile_overlayer_lowered  }
0x9b: {  	s22 =	simm.s32 $0x1BFF;
	s21 =	sshll.u32 s5, $0x1;
	s2 =	sadd.s32 s19, s18  }
0x9c: {  	s6 =	simm.s32 $0x0;
	s20 =	sshll.u32 s4, $0x1;
	s4 =	sadd.s32 s21, s2  }
0x9d: {  	[timem:s6], [sflag:s22] =	dma.local [hbm:s4], s20  }
0x9e: {  	_ =	swait.ge [sflag:s22], s20  }
0x9f: {  	s3 =	ssub.s32 $0x0, s20;
	[sflag:s22] =	ssyncset.done $0x0  }
0xa0: {  	[sflag:s22] =	ssyncadd.s32 s3;
	_ =	sdelay $0x1  }
0xa1: {  	s23 =	simm.s32 $0x1B8B  }
0xa2: {  	_ =	swait.ge [sflag:s23], $0x1  }
0xa3: {  	[sflag:s23] =	ssyncset.done $0x0  }
0xa4: {  	s25 =	simm.s32 $0x1B8E;
	s24 =	sld [smem:$0x3FFE];
	[sflag:s23] =	ssyncadd.s32 $0xFFFFFFFF  }
0xa5: {  	s26 =	simm.s32 $execute0_lowered;
	[smem:$0x3FD2] =	sst s25  }
0xa6: {  	s4 =	sshll.u32 s26, $0x1;
	_ =	strace $0x80000049;
	[dreg:$0x1] =	wrdreg $0xFFFFFFFF  }
0xa7: {  	s28 =	simm.s32 $_size_execute0_lowered;
	s2 =	sadd.s32 s2, s4;
	[dreg:$0x0] =	wrdreg $0x0  }
0xa8: {  	s4 =	sshll.u32 s28, $0x1;
	[dreg:$0x2] =	wrdreg s2  }
0xa9: {  	[dreg:$0x3] =	wrdreg s4  }
0xaa: {  	[dreg:$0x4] =	wrdreg $0xC0  }
0xab: {  	_ =	task [dreg:s6], $0x5FFFF  }
0xac: {  	[dreg:$0x1] =	wrdreg $0xFFFFFFFF  }
0xad: {  	[dreg:$0x0] =	wrdreg $0x60  }
0xae: {  	[dreg:$0x2] =	wrdreg s24  }
0xaf: {  	[dreg:$0x3] =	wrdreg $0x89000  }
0xb0: {  	[dreg:$0x4] =	wrdreg $0x9  }
0xb1: {  	_ =	task.clear_ibuf [dreg:s6], $0x5FFFF;
	_ =	strace $0x90000049  }
0xb2: {  	s29 =	simm.s32 $0x9;
	_ =	strace $0x8000004B  }
0xb3: {  	_ =	swait.ge [sflag:s29], $0x1  }
0xb4: {  	[sflag:s29] =	ssyncadd.s32 $0xFFFFFFFF  }
0xb5: {  	_ =	strace $0x9000004B  }
0xb6: {  	_ =	sfence  }
0xb7: {  	s30 =	sld [smem:$0x0];
	_ =	sdelay $0x2  }
0xb8: {  	s31 =	sshll.u32 s1, $0xD;
	s1 =	sshrl.u32 s1, $0x2  }
0xb9: {  	s3 =	sand.u32 $0x4000, s31;
	s1 =	sadd.s32 s1, s30  }
0xba: {  	s0 =	sor.u32 s3, s0;
	s1 =	sshll.u32 s1, $0x11  }
0xbb: {  	s0 =	sor.u32 s1, s0  }
0xbc: {  	s0 =	sadd.s32 $0x8F2B, s0  }
0xbd: {  	[sflag:s0] =	ssyncadd.remote.s32 $0x1  }
0xbe: {  	_ =	sfence.sel $0xFFFF  }
0xbf: {  	[dreg:$0x0] =	wrdreg $0xFFFFFFFF;
	(pc) =	sbr.abs _section_cstart, $3  }
0xc0: {  	[dreg:$0x1] =	wrdreg $0xFFFFFFFF  }
0xc1: {  	_ =	task.clear_ibuf [dreg:s6], $0x2FFFF;
	_ =	strace $0x9FFFFFFF  }
0xc2: {  	(tm) =	ssettm $0x7FFFFFFF  }
0xc3: {  	_ =	shalt  }
tec
execute0_lowered:
.L_overlay_start_1:
0x0: {  	(tag) =	ssettag $0x1  }
0x1: {  	s0 =	rddreg [dreg:$0x0]  }
0x2: {  	s2 =	rddreg [dreg:$0x1]  }
0x3: {  	s3 =	simm.s32 $0x0;
	s1 =	stileid.u32;
	s5 =	srdreg.scid  }
0x4: {  	s21 =	simm.s32 $0x4100;
	s22 =	simm.s32 $0x2;
	s6 =	smul.u32 $0x35, s1  }
0x5: {  	s28 =	simm.s32 $0x400;
	s29 =	simm.s32 $0x0;
	s7 =	smul.u32 $0x69, s1  }
0x6: {  	[smem:$0x7FF] =	sst s3;
	s4 =	sadd.s32 $0x16C00, s0;
	s23 =	smul.u32 $0x2800, s1  }
0x7: {  	s5 =	sand.u32 $0x1, s5;
	s25 =	sshll.u32 s1, $0x7;
	s26 =	smul.u32 $0x50000, s1  }
0x8: {  	_ =	strace $0x8000004A;
	p0 =	seq.s32 s5, $0x0;
	s8 =	sshll.u32 s5, $0x4  }
0x9: {  	s9 =	smul.u32 $0x28000, s5;
	s5 =	ssub.s32 $0x2, s5;
	s6 =	sadd.s32 $0x690, s6  }
0xa: {  	s8 =	sor.u32 s1, s8;
	s30 =	sshrl.u32 s5, $0x1;
	s31 =	sshrl.u32 s26, $0x2  }
0xb: {  	s26 =	simm.s32 $0x6100;
	s6 =	smov.u32 @p0 s7;
	s8 =	sshrl.u32 s8, $0x3  }
0xc: {  	s7 =	sadd.s32 s23, s9;
	s18 =	ssub.s32 s5, s30;
	s5 =	sadd.s32 s31, s2  }
0xd: {  	s23 =	simm.s32 $0x80;
	s6 =	sshll.u32 s6, $0x4;
	s24 =	smul.u32 $0x14000, s8  }
0xe: {  	s8 =	sand.u32 $0x380, s25;
	s16 =	sadd.s32 s7, s0;
	s7 =	sadd.s32 $0x4000, s5  }
0xf: {  	s9 =	sadd.s32 $0x8000, s5;
	s10 =	sadd.s32 $0xA000, s5;
	s11 =	sadd.s32 $0xC000, s5  }
0x10: {  	s12 =	sadd.s32 $0xE000, s5;
	s13 =	sadd.s32 $0x10000, s5;
	s15 =	sadd.s32 $0x12000, s5  }
0x11: {  	s18 =	smax.u32 s18, $0x1;
	s25 =	simm.s32 $0x1;
	s14 =	sadd.s32 s6, s0  }
0x12: {  	s16 =	sadd.s32 $0x48C00, s16;
	s6 =	sor.u32 s8, s24;
	s8 =	sadd.s32 $0x6000, s5  }
0x13: {  	s19 =	sadd.s32 $0x3000, s14;
	s20 =	sadd.s32 $0xCE00, s14;
	s6 =	sshrl.u32 s6, $0x3  }
0x14: {  	s24 =	simm.s32 $0x100;
	s17 =	sadd.s32 s6, s0;
	s0 =	simm.s32 $0x69  }
0x15: {  	v0 =	vimm.f32 $0.0e+00;
	v1 =	vimm.f32 $1.000000000e+00;
	s6 =	sadd.s32 $0x2000, s5;
	s0 =	simm.s32 @!p0 $0x35;
	s17 =	sadd.s32 $0x3EC00, s17  }
.LBB2_1:
0x16: {  	s14 =	simm.s32 $0x0;
	s30 =	simm.s32 $0x200  }
.LBB2_2:
0x17: {  	p0 =	sne.s32 s30, $0x7E00;
	[tilespmem:s14+$0x4170] =	vst v0  }
0x18: {  	[tilespmem:s14+$0x4100] =	vst v0  }
0x19: {  	[tilespmem:s14+$0x4110] =	vst v0  }
.Ltmp0:
0x1a: {  	[tilespmem:s14+$0x4120] =	vst v0;
	(pc) =	sbr.rel @p0 .LBB2_2-.Ltmp0, $4  }
0x1b: {  	[tilespmem:s14+$0x4130] =	vst v0  }
0x1c: {  	[tilespmem:s14+$0x4140] =	vst v0  }
0x1d: {  	[tilespmem:s14+$0x4150] =	vst v0  }
0x1e: {  	[tilespmem:s14+$0x4160] =	vst v0;
	s14 =	sshra.s32 s30, $0x2;
	s30 =	sadd.s32 $0x200, s30  }
0x1f: {  	[tilespmem:s14+$0x4170] =	vst v0  }
0x20: {  	[tilespmem:s14+$0x4100] =	vst v0  }
0x21: {  	[tilespmem:s14+$0x4110] =	vst v0  }
0x22: {  	[tilespmem:s14+$0x4120] =	vst v0  }
0x23: {  	[tilespmem:s14+$0x4130] =	vst v0  }
0x24: {  	[tilespmem:s14+$0x4140] =	vst v0  }
0x25: {  	[tilespmem:s14+$0x4150] =	vst v0  }
0x26: {  	[tilespmem:s14+$0x4160] =	vst v0;
	s14 =	simm.s32 $0x40;
	s30 =	simm.s32 $0x0  }
.LBB2_4:
0x27: {  	p0 =	sne.s32 s14, $0x9FC0;
	[tilespmem:s30+$0x6100] =	vst v0;
	s30 =	smov.u32 s14;
	s14 =	sadd.s32 $0x40, s14  }
.Ltmp1:
0x28: {  	(pc) =	sbr.rel @p0 .LBB2_4-.Ltmp1, $2  }
0x29: {  	_ =	sdelay $0x2  }
0x2a: {  	s30 =	sshra.s32 s30, $0x2  }
0x2b: {  	[tilespmem:s30+$0x6100] =	vst v0  }
0x2c: {  	[spmem:s5] =	stream.linear.scatter [tilespmem:s21], [sflag:$0x2], $0x2000, $0x38;
	[tilespmem:$0x1C900] =	vst v63  }
0x2d: {  	_ =	swait.ge [sflag:s22], $0x2000  }
0x2e: {  	[sflag:s22] =	ssyncset.done $0x0  }
0x2f: {  	[sflag:s22] =	ssyncadd.s32 $0xFFFFE000  }
0x30: {  	[spmem:s6] =	stream.linear.scatter [tilespmem:s21], [sflag:$0x2], $0x2000, $0x38;
	[tilespmem:$0x1C900] =	vst v63  }
0x31: {  	_ =	swait.ge [sflag:s22], $0x2000  }
0x32: {  	[sflag:s22] =	ssyncset.done $0x0  }
0x33: {  	[sflag:s22] =	ssyncadd.s32 $0xFFFFE000  }
0x34: {  	[spmem:s7] =	stream.linear.scatter [tilespmem:s21], [sflag:$0x2], $0x2000, $0x38;
	[tilespmem:$0x1C900] =	vst v63  }
0x35: {  	_ =	swait.ge [sflag:s22], $0x2000  }
0x36: {  	[sflag:s22] =	ssyncset.done $0x0  }
0x37: {  	[sflag:s22] =	ssyncadd.s32 $0xFFFFE000  }
0x38: {  	[spmem:s8] =	stream.linear.scatter [tilespmem:s21], [sflag:$0x2], $0x2000, $0x38;
	[tilespmem:$0x1C900] =	vst v63  }
0x39: {  	_ =	swait.ge [sflag:s22], $0x2000  }
0x3a: {  	[sflag:s22] =	ssyncset.done $0x0  }
0x3b: {  	[sflag:s22] =	ssyncadd.s32 $0xFFFFE000  }
0x3c: {  	[spmem:s9] =	stream.linear.scatter [tilespmem:s21], [sflag:$0x2], $0x2000, $0x38;
	[tilespmem:$0x1C900] =	vst v63  }
0x3d: {  	_ =	swait.ge [sflag:s22], $0x2000  }
0x3e: {  	[sflag:s22] =	ssyncset.done $0x0  }
0x3f: {  	[sflag:s22] =	ssyncadd.s32 $0xFFFFE000  }
0x40: {  	[spmem:s10] =	stream.linear.scatter [tilespmem:s21], [sflag:$0x2], $0x2000, $0x38;
	[tilespmem:$0x1C900] =	vst v63  }
0x41: {  	_ =	swait.ge [sflag:s22], $0x2000  }
0x42: {  	[sflag:s22] =	ssyncset.done $0x0  }
0x43: {  	[sflag:s22] =	ssyncadd.s32 $0xFFFFE000  }
0x44: {  	[spmem:s11] =	stream.linear.scatter [tilespmem:s21], [sflag:$0x2], $0x2000, $0x38;
	[tilespmem:$0x1C900] =	vst v63  }
0x45: {  	_ =	swait.ge [sflag:s22], $0x2000  }
0x46: {  	[sflag:s22] =	ssyncset.done $0x0  }
0x47: {  	[sflag:s22] =	ssyncadd.s32 $0xFFFFE000  }
0x48: {  	[spmem:s12] =	stream.linear.scatter [tilespmem:s21], [sflag:$0x2], $0x2000, $0x38;
	[tilespmem:$0x1C900] =	vst v63  }
0x49: {  	_ =	swait.ge [sflag:s22], $0x2000  }
0x4a: {  	[sflag:s22] =	ssyncset.done $0x0  }
0x4b: {  	[sflag:s22] =	ssyncadd.s32 $0xFFFFE000  }
0x4c: {  	[spmem:s13] =	stream.linear.scatter [tilespmem:s21], [sflag:$0x2], $0x2000, $0x38;
	[tilespmem:$0x1C900] =	vst v63  }
0x4d: {  	_ =	swait.ge [sflag:s22], $0x2000  }
0x4e: {  	[sflag:s22] =	ssyncset.done $0x0  }
0x4f: {  	[sflag:s22] =	ssyncadd.s32 $0xFFFFE000  }
0x50: {  	[spmem:s15] =	stream.linear.scatter [tilespmem:s21], [sflag:$0x2], $0x2000, $0x38;
	[tilespmem:$0x1C900] =	vst v63  }
0x51: {  	_ =	swait.ge [sflag:s22], $0x2000  }
0x52: {  	[sflag:s22] =	ssyncset.done $0x0  }
0x53: {  	s30 =	smov.u32 s20;
	[sflag:s22] =	ssyncadd.s32 $0xFFFFE000  }
0x54: {  	s31 =	smov.u32 s19;
	s14 =	smov.u32 s0;
	[bflag:$0x0] =	sbarrier.arrive $0xFFFF  }
.LBB2_6:
0x55: {  	[tilespmem:s3], [sflag:$0x2] =	stream.linear.gather [hbm4b:s30+s3], $0x80, $0x38;
	[tilespmem:$0x1C900] =	vst v63  }
0x56: {  	_ =	swait.ge [sflag:s22], $0x80  }
0x57: {  	[sflag:s22] =	ssyncset.done $0x0  }
0x58: {  	[sflag:s22] =	ssyncadd.s32 $0xFFFFFF80  }
0x59: {  	[tilespmem:s23], [sflag:$0x2] =	stream.linear.gather [hbm4b:s31+s3], $0x80, $0x38;
	[tilespmem:$0x1C900] =	vst v63  }
0x5a: {  	_ =	swait.ge [sflag:s22], $0x80  }
0x5b: {  	[sflag:s22] =	ssyncset.done $0x0  }
0x5c: {  	[sflag:s22] =	ssyncadd.s32 $0xFFFFFF80  }
0x5d: {  	[tilespmem:s24], [sflag:$0x1] =	stream.indirect.gather [hbm4b:s4+s23], $0x80, s3, s23, $0xb8;
	[tilespmem:$0x1C900] =	vst v63  }
0x5e: {  	_ =	swait.ge [sflag:s25], $0x4000  }
0x5f: {  	[sflag:s25] =	ssyncset.done $0x0  }
0x60: {  	[sflag:s25] =	ssyncadd.s32 $0xFFFFC000  }
0x61: {  	[spmem:s2] =	stream.indirect.scatter.add.f32 [tilespmem:s24], [sflag:$0x2], $0x80, s23, s23, $0xb8;
	[tilespmem:$0x1C900] =	vst v63  }
0x62: {  	_ =	swait.ge [sflag:s22], $0x4000  }
0x63: {  	[sflag:s22] =	ssyncset.done $0x0  }
0x64: {  	[sflag:s22] =	ssyncadd.s32 $0xFFFFC000  }
0x65: {  	v2 =	vld [tilespmem:$0x80];
	_ =	sdelay $0x7  }
0x66: {  	[tilespmem:v2+s26+$0x0] =	vst.idx.add.f32.msk $0xffff, v1  }
0x67: {  	v2 =	vld [tilespmem:$0x90];
	_ =	sdelay $0x7  }
0x68: {  	[tilespmem:v2+s26+$0x0] =	vst.idx.add.f32.msk $0xffff, v1  }
0x69: {  	v2 =	vld [tilespmem:$0xA0];
	_ =	sdelay $0x7  }
0x6a: {  	[tilespmem:v2+s26+$0x0] =	vst.idx.add.f32.msk $0xffff, v1  }
0x6b: {  	v2 =	vld [tilespmem:$0xB0];
	_ =	sdelay $0x7  }
0x6c: {  	[tilespmem:v2+s26+$0x0] =	vst.idx.add.f32.msk $0xffff, v1  }
0x6d: {  	v2 =	vld [tilespmem:$0xC0];
	_ =	sdelay $0x7  }
0x6e: {  	[tilespmem:v2+s26+$0x0] =	vst.idx.add.f32.msk $0xffff, v1  }
0x6f: {  	v2 =	vld [tilespmem:$0xD0];
	_ =	sdelay $0x7  }
0x70: {  	[tilespmem:v2+s26+$0x0] =	vst.idx.add.f32.msk $0xffff, v1  }
0x71: {  	v2 =	vld [tilespmem:$0xE0];
	_ =	sdelay $0x7  }
0x72: {  	[tilespmem:v2+s26+$0x0] =	vst.idx.add.f32.msk $0xffff, v1  }
0x73: {  	v2 =	vld [tilespmem:$0xF0];
	_ =	sdelay $0x2  }
0x74: {  	p0 =	sne.s32 s14, $0x1  }
.Ltmp2:
0x75: {  	_ = 	snop;
	(pc) =	sbr.rel @p0 .LBB2_6-.Ltmp2, $2  }
0x76: {  	_ =	sdelay $0x2  }
0x77: {  	s30 =	sadd.s32 $0x10, s30;
	s14 =	sadd.s32 $0xFFFFFFFF, s14;
	s31 =	sadd.s32 $0x10, s31;
	[tilespmem:v2+s26+$0x0] =	vst.idx.add.f32.msk $0xffff, v1  }
0x78: {  	s14 =	sshll.u32 s1, $0x6  }
0x79: {  	[bflag:$0x0] =	sbarrier.arrive $0xFFFF;
	s30 =	sshrl.u32 s5, $0x3;
	s14 =	sor.u32 $0x1C02, s14  }
0x7a: {  	[hbm:s16], [sflag:s14] =	dma.local [spmem:s30], $0x2800  }
0x7b: {  	s29 =	sadd.s32 $0x1, s29;
	_ =	swait.ge [sflag:s22], $0x2800  }
0x7c: {  	p0 =	sne.s32 s29, s18;
	[sflag:s22] =	ssyncset.done $0x0  }
.Ltmp3:
0x7d: {  	[sflag:s22] =	ssyncadd.s32 $0xFFFFD800;
	(pc) =	sbr.rel @p0 .LBB2_1-.Ltmp3, $4  }
0x7e: {  	[hbm4b:s17+s23] =	stream.strided.scatter [tilespmem:s26], [sflag:$0x2], $0x2800, s28, s23, $0x38;
	[tilespmem:$0x1C900] =	vst v63  }
0x7f: {  	_ =	swait.ge [sflag:s22], $0x2800  }
0x80: {  	[sflag:s22] =	ssyncset.done $0x0  }
0x81: {  	[sflag:s22] =	ssyncadd.s32 $0xFFFFD800  }
0x82: {  	_ =	sfence.sel $0x180000  }
0x83: {  	[bflag:$0x0] =	sbarrier.arrive $0xFFFF  }
0x84: {  	_ =	strace $0x9000004A  }
0x85: {  	[bflag:$0x2] =	sbarrier.arrive $0xFFFF  }
0x86: {  	p0 =	sne.s32 s1, $0x0;
	s0 =	rddreg [dreg:$0x2]  }
0x87: {  	s0 =	sadd.s32 @!p0 $0x100000, s0  }
0x88: {  	[sflag:s0] =	ssyncadd.tile.s32 @!p0 $0x1;
	_ =	shalt  }
.Lfunc_end2:
_tile_overlayer_lowered:
.L_overlay_start_2:
0x89: {  	(tag) =	ssettag $0x2  }
0x8a: {  	s0 =	rddreg [dreg:$0x0];
	s2 =	stileid.u32  }
0x8b: {  	s1 =	rddreg [dreg:$0x1];
	p0 =	sne.s32 s2, $0x0  }
0x8c: {  	s3 =	rddreg [dreg:$0x2];
	[bflag:$0x3] =	sbarrier.arrive $0xFFFF;
	s2 =	simm.s32 @!p0 $0x1C02  }
0x8d: {  	[timem:s3], [sflag:s2] =	dma.local @!p0 [hbm:s0], s1  }
0x8e: {  	s0 =	simm.s32 @!p0 $0x2  }
0x8f: {  	_ =	swait.ge @!p0 [sflag:s0], s1  }
0x90: {  	s1 =	ssub.s32 @!p0 $0x0, s1;
	[sflag:s0] =	ssyncset.done @!p0 $0x0  }
0x91: {  	[sflag:s0] =	ssyncadd.s32 @!p0 s1  }
0x92: {  	[bflag:$0x3] =	sbarrier.arrive $0xFFFF  }
0x93: {  	_ =	shalt  }

// kernel: kernel.7.cloned.1.call-start
scs
__scs_entry_jumppad:
0x0: {  	(pc) =	sbr.rel $0x88, $3  }
0x1: {  	(tag) =	ssettag $0x0;
	lr =	simm.s32 $0x1  }
0x2: {  	[smem:$0x3F92] =	sst lr;
	_ =	strace $0xD0000000  }
0x3: {  	_ = 	snop  }
0x4: {  	_ = 	snop  }
0x5: {  	_ = 	snop  }
0x6: {  	_ = 	snop  }
0x7: {  	_ = 	snop  }
__scs_overlays_trampoline_lowered:
0x8: {  	[smem:$0x3FA1] =	sst s0  }
0x9: {  	[smem:$0x3FA2] =	sst s1  }
0xa: {  	[smem:$0x3FA3] =	sst s2  }
0xb: {  	[smem:$0x3FA4] =	sst s3  }
0xc: {  	[smem:$0x3FA5] =	sst s4  }
0xd: {  	[smem:$0x3FA6] =	sst s5  }
0xe: {  	[smem:$0x3FA7] =	sst s6  }
0xf: {  	[smem:$0x3FA8] =	sst s7  }
0x10: {  	[smem:$0x3FA9] =	sst s8  }
0x11: {  	[smem:$0x3FAA] =	sst s9;
	s0 =	simm.s32 @!p0 $0x0  }
0x12: {  	s1 =	sld [smem:$0x3F90];
	s0 =	simm.s32 @p0 $0x1  }
0x13: {  	[smem:$0x3FAB] =	sst s0;
	s0 =	simm.s32 @!p1 $0x0  }
0x14: {  	s2 =	sld [smem:$0x3F8F];
	s0 =	simm.s32 @p1 $0x1  }
0x15: {  	[smem:$0x3FAC] =	sst s0;
	s0 =	simm.s32 @!p2 $0x0  }
0x16: {  	s3 =	sld [smem:$0x3FDB];
	s0 =	simm.s32 @p2 $0x1  }
0x17: {  	s4 =	simm.s32 $0x1BF5;
	[smem:$0x3FAE] =	sst s0  }
0x18: {  	s0 =	sld [smem:$0x3F91];
	_ =	swait.ge [sflag:s4], $0x0  }
0x19: {  	s7 =	sld [smem:$0x3F92]  }
0x1a: {  	s8 =	sadd.s32 $0xFFFFE003, lr  }
0x1b: {  	s9 =	sadd.s32 $0xFFFFFEF7, lr;
	s5 =	simm.s32 $0xFFFFFFFF;
	p2 =	slt.u32 s8, $0xFFFFF086  }
0x1c: {  	p1 =	slt.u32 s9, $0xF7A;
	s5 =	simm.s32 @!p2 $0x0  }
0x1d: {  	s5 =	simm.s32 @p1 $0x1;
	p0 =	seq.s32 s7, s2  }
0x1e: {  	s7 =	smul.u32 @!p0 $0xF7A, s2;
	p2 =	seq.s32 @!p0 s5, $0x0  }
0x1f: {  	s9 =	smul.u32 $0xF7A, s1;
	s8 =	simm.s32 @!p0 $0x1BF5;
	p2 =	por !p2, p0  }
0x20: {  	[sflag:s8] =	ssyncset.s32 @!p0 $0xFFFFF086;
	s6 =	sadd.s32 @!p0 s3, s7;
	s7 =	simm.s32 @!p0 $0x108  }
0x21: {  	s3 =	sadd.s32 s3, s9;
	s6 =	sadd.s32 @!p0 $0x88, s6;
	s7 =	simm.s32 @p2 $0x1082  }
0x22: {  	[simem:s7], [sflag:s8] =	dma.local @!p0 [hbm:s6], $0xF7A  }
0x23: {  	s9 =	sor.u32 $0xD0000000, s2;
	s6 =	simm.s32 $0x108;
	_ =	swait.ge @!p0 [sflag:s8], $0x0  }
0x24: {  	s3 =	sadd.s32 $0x88, s3;
	s6 =	simm.s32 @!p1 $0x1082;
	[sflag:s4] =	ssyncset.s32 $0xFFFFF086  }
0x25: {  	[simem:s6], [sflag:s4] =	dma.local [hbm:s3], $0xF7A  }
0x26: {  	[smem:$0x3F92] =	sst s1;
	(tag) =	ssettag s2;
	_ =	strace s9  }
0x27: {  	s1 =	sld [smem:$0x3FA2]  }
0x28: {  	s2 =	sld [smem:$0x3FA3]  }
0x29: {  	s4 =	sld [smem:$0x3FA5]  }
0x2a: {  	p0 =	seq.s32 s5, $0x0;
	s5 =	sld [smem:$0x3FA6]  }
0x2b: {  	s6 =	sld [smem:$0x3FA7]  }
0x2c: {  	s7 =	sld [smem:$0x3FA8]  }
0x2d: {  	s3 =	simm.s32 $0x108;
	s8 =	sld [smem:$0x3FA9]  }
0x2e: {  	s3 =	simm.s32 @!p0 $0x1082;
	s9 =	sld [smem:$0x3FAA]  }
0x2f: {  	lr =	sadd.s32 s0, s3;
	s0 =	sld [smem:$0x3FA1]  }
0x30: {  	s3 =	sld [smem:$0x3FA4]  }
0x31: {  	[smem:$0x3FAD] =	sst s10  }
0x32: {  	s10 =	sld [smem:$0x3FAB];
	_ =	sdelay $0x3  }
0x33: {  	p0 =	seq.s32 s10, $0x1;
	s10 =	sld [smem:$0x3FAD];
	_ =	sdelay $0x3  }
0x34: {  	[smem:$0x3FAD] =	sst s10  }
0x35: {  	s10 =	sld [smem:$0x3FAC];
	_ =	sdelay $0x3  }
0x36: {  	p1 =	seq.s32 s10, $0x1;
	s10 =	sld [smem:$0x3FAD];
	_ =	sdelay $0x3  }
0x37: {  	[smem:$0x3FAD] =	sst s10  }
0x38: {  	s10 =	sld [smem:$0x3FAE]  }
0x39: {  	_ = 	snop;
	(pc) =	sbr.ind lr, $3  }
0x3a: {  	_ = 	snop  }
0x3b: {  	_ = 	snop  }
0x3c: {  	p2 =	seq.s32 s10, $0x1;
	s10 =	sld [smem:$0x3FAD]  }
0x3d: {  	_ =	shalt  }
0x3e: {  	_ =	shalt  }
0x3f: {  	_ =	shalt  }
0x40: {  	_ =	shalt  }
0x41: {  	_ =	shalt  }
0x42: {  	_ =	shalt  }
0x43: {  	_ =	shalt  }
0x44: {  	_ =	shalt  }
0x45: {  	_ =	shalt  }
0x46: {  	_ =	shalt  }
0x47: {  	_ =	shalt  }
0x48: {  	_ =	shalt  }
0x49: {  	_ =	shalt  }
0x4a: {  	_ =	shalt  }
0x4b: {  	_ =	shalt  }
0x4c: {  	_ =	shalt  }
0x4d: {  	_ =	shalt  }
0x4e: {  	_ =	shalt  }
0x4f: {  	_ =	shalt  }
0x50: {  	_ =	shalt  }
0x51: {  	_ =	shalt  }
0x52: {  	_ =	shalt  }
0x53: {  	_ =	shalt  }
0x54: {  	_ =	shalt  }
0x55: {  	_ =	shalt  }
0x56: {  	_ =	shalt  }
0x57: {  	_ =	shalt  }
0x58: {  	_ =	shalt  }
0x59: {  	_ =	shalt  }
0x5a: {  	_ =	shalt  }
0x5b: {  	_ =	shalt  }
0x5c: {  	_ =	shalt  }
0x5d: {  	_ =	shalt  }
0x5e: {  	_ =	shalt  }
0x5f: {  	_ =	shalt  }
0x60: {  	_ =	shalt  }
0x61: {  	_ =	shalt  }
0x62: {  	_ =	shalt  }
0x63: {  	_ =	shalt  }
0x64: {  	_ =	shalt  }
0x65: {  	_ =	shalt  }
0x66: {  	_ =	shalt  }
0x67: {  	_ =	shalt  }
0x68: {  	_ =	shalt  }
0x69: {  	_ =	shalt  }
0x6a: {  	_ =	shalt  }
0x6b: {  	_ =	shalt  }
0x6c: {  	_ =	shalt  }
0x6d: {  	_ =	shalt  }
0x6e: {  	_ =	shalt  }
0x6f: {  	_ =	shalt  }
0x70: {  	_ =	shalt  }
0x71: {  	_ =	shalt  }
0x72: {  	_ =	shalt  }
0x73: {  	_ =	shalt  }
0x74: {  	_ =	shalt  }
0x75: {  	_ =	shalt  }
0x76: {  	_ =	shalt  }
0x77: {  	_ =	shalt  }
0x78: {  	_ =	shalt  }
0x79: {  	_ =	shalt  }
0x7a: {  	_ =	shalt  }
0x7b: {  	_ =	shalt  }
0x7c: {  	_ =	shalt  }
0x7d: {  	_ =	shalt  }
0x7e: {  	_ =	shalt  }
0x7f: {  	_ =	shalt  }
0x80: {  	_ =	shalt  }
0x81: {  	_ =	shalt  }
0x82: {  	_ =	shalt  }
0x83: {  	_ =	shalt  }
0x84: {  	_ =	shalt  }
0x85: {  	_ =	shalt  }
0x86: {  	_ =	shalt  }
0x87: {  	_ =	shalt  }
.Lfunc_end0:
.L_simem_size_0:
called_computation_lowered:
.L_overlay_start_0:
0x88: {  	s2 =	sld [smem:$0x3FD9]  }
0x89: {  	s3 =	sld [smem:$0x3FFE];
	_ =	sdelay $0x1  }
0x8a: {  	s1 =	srdreg.scid  }
0x8b: {  	s0 =	sand.u32 $0x1, s1  }
0x8c: {  	s16 =	sshll.u32 s0, $0xA;
	s2 =	sadd.s32 s3, s2  }
0x8d: {  	s2 =	sadd.s32 s2, s16  }
0x8e: {  	[smem:$0x3FB9] =	sst s2  }
0x8f: {  	_ = 	snop  }
0x90: {  	(tm) =	ssettm $0x1  }
0x91: {  	s17 =	sld [smem:$0x3FFB];
	_ =	sdelay $0x3  }
0x92: {  	_ =	strace s17  }
0x93: {  	s2 =	sld [smem:$0x3FFC];
	_ =	sdelay $0x3  }
0x94: {  	_ =	strace s2  }
0x95: {  	s2 =	sld [smem:$0x3FFD];
	_ =	sdelay $0x3  }
0x96: {  	_ =	strace s2  }
0x97: {  	_ =	strace $0x8FFFFFFF  }
0x98: {  	s18 =	sld [smem:$0x3FDB];
	_ =	sdelay $0x1  }
0x99: {  	s19 =	simm.s32 $_scs_section_size  }
0x9a: {  	s4 =	simm.s32 $_size__tile_overlayer_lowered;
	s5 =	simm.s32 $_tile_overlayer_lowered  }
0x9b: {  	s22 =	simm.s32 $0x1BFF;
	s21 =	sshll.u32 s5, $0x1;
	s2 =	sadd.s32 s19, s18  }
0x9c: {  	s6 =	simm.s32 $0x0;
	s20 =	sshll.u32 s4, $0x1;
	s4 =	sadd.s32 s21, s2  }
0x9d: {  	[timem:s6], [sflag:s22] =	dma.local [hbm:s4], s20  }
0x9e: {  	_ =	swait.ge [sflag:s22], s20  }
0x9f: {  	s3 =	ssub.s32 $0x0, s20;
	[sflag:s22] =	ssyncset.done $0x0  }
0xa0: {  	[sflag:s22] =	ssyncadd.s32 s3;
	_ =	sdelay $0x1  }
0xa1: {  	s23 =	simm.s32 $0x1B8B  }
0xa2: {  	_ =	swait.ge [sflag:s23], $0x1  }
0xa3: {  	[sflag:s23] =	ssyncset.done $0x0  }
0xa4: {  	s25 =	simm.s32 $0x1B8E;
	s24 =	sld [smem:$0x3FFE];
	[sflag:s23] =	ssyncadd.s32 $0xFFFFFFFF  }
0xa5: {  	s26 =	simm.s32 $execute0_lowered;
	[smem:$0x3FD2] =	sst s25  }
0xa6: {  	s4 =	sshll.u32 s26, $0x1;
	_ =	strace $0x80000046;
	[dreg:$0x1] =	wrdreg $0xFFFFFFFF  }
0xa7: {  	s28 =	simm.s32 $_size_execute0_lowered;
	s2 =	sadd.s32 s2, s4;
	[dreg:$0x0] =	wrdreg $0x0  }
0xa8: {  	s4 =	sshll.u32 s28, $0x1;
	[dreg:$0x2] =	wrdreg s2  }
0xa9: {  	[dreg:$0x3] =	wrdreg s4  }
0xaa: {  	[dreg:$0x4] =	wrdreg $0xC0  }
0xab: {  	_ =	task [dreg:s6], $0x5FFFF  }
0xac: {  	[dreg:$0x1] =	wrdreg $0xFFFFFFFF  }
0xad: {  	[dreg:$0x0] =	wrdreg $0x60  }
0xae: {  	[dreg:$0x2] =	wrdreg s24  }
0xaf: {  	[dreg:$0x3] =	wrdreg $0x89000  }
0xb0: {  	[dreg:$0x4] =	wrdreg $0x9  }
0xb1: {  	_ =	task.clear_ibuf [dreg:s6], $0x5FFFF;
	_ =	strace $0x90000046  }
0xb2: {  	s29 =	simm.s32 $0x9;
	_ =	strace $0x80000048  }
0xb3: {  	_ =	swait.ge [sflag:s29], $0x1  }
0xb4: {  	[sflag:s29] =	ssyncadd.s32 $0xFFFFFFFF  }
0xb5: {  	_ =	strace $0x90000048  }
0xb6: {  	_ =	sfence  }
0xb7: {  	s30 =	sld [smem:$0x0];
	_ =	sdelay $0x2  }
0xb8: {  	s31 =	sshll.u32 s1, $0xD;
	s1 =	sshrl.u32 s1, $0x2  }
0xb9: {  	s3 =	sand.u32 $0x4000, s31;
	s1 =	sadd.s32 s1, s30  }
0xba: {  	s0 =	sor.u32 s3, s0;
	s1 =	sshll.u32 s1, $0x11  }
0xbb: {  	s0 =	sor.u32 s1, s0  }
0xbc: {  	s0 =	sadd.s32 $0x8F2B, s0  }
0xbd: {  	[sflag:s0] =	ssyncadd.remote.s32 $0x1  }
0xbe: {  	_ =	sfence.sel $0xFFFF  }
0xbf: {  	[dreg:$0x0] =	wrdreg $0xFFFFFFFF;
	(pc) =	sbr.abs _section_cstart, $3  }
0xc0: {  	[dreg:$0x1] =	wrdreg $0xFFFFFFFF  }
0xc1: {  	_ =	task.clear_ibuf [dreg:s6], $0x2FFFF;
	_ =	strace $0x9FFFFFFF  }
0xc2: {  	(tm) =	ssettm $0x7FFFFFFF  }
0xc3: {  	_ =	shalt  }
tec
execute0_lowered:
.L_overlay_start_1:
0x0: {  	(tag) =	ssettag $0x1  }
0x1: {  	s0 =	rddreg [dreg:$0x0]  }
0x2: {  	s2 =	rddreg [dreg:$0x1]  }
0x3: {  	s3 =	simm.s32 $0x0;
	s1 =	stileid.u32;
	s5 =	srdreg.scid  }
0x4: {  	s21 =	simm.s32 $0x4100;
	s22 =	simm.s32 $0x2;
	s6 =	smul.u32 $0x35, s1  }
0x5: {  	s28 =	simm.s32 $0x400;
	s29 =	simm.s32 $0x0;
	s7 =	smul.u32 $0x69, s1  }
0x6: {  	[smem:$0x7FF] =	sst s3;
	s4 =	sadd.s32 $0x16C00, s0;
	s23 =	smul.u32 $0x2800, s1  }
0x7: {  	s5 =	sand.u32 $0x1, s5;
	s25 =	sshll.u32 s1, $0x7;
	s26 =	smul.u32 $0x50000, s1  }
0x8: {  	_ =	strace $0x80000047;
	p0 =	seq.s32 s5, $0x0;
	s8 =	sshll.u32 s5, $0x4  }
0x9: {  	s9 =	smul.u32 $0x28000, s5;
	s5 =	ssub.s32 $0x2, s5;
	s6 =	sadd.s32 $0x690, s6  }
0xa: {  	s8 =	sor.u32 s1, s8;
	s30 =	sshrl.u32 s5, $0x1;
	s31 =	sshrl.u32 s26, $0x2  }
0xb: {  	s26 =	simm.s32 $0x6100;
	s6 =	smov.u32 @p0 s7;
	s8 =	sshrl.u32 s8, $0x3  }
0xc: {  	s7 =	sadd.s32 s23, s9;
	s18 =	ssub.s32 s5, s30;
	s5 =	sadd.s32 s31, s2  }
0xd: {  	s23 =	simm.s32 $0x80;
	s6 =	sshll.u32 s6, $0x4;
	s24 =	smul.u32 $0x14000, s8  }
0xe: {  	s8 =	sand.u32 $0x380, s25;
	s16 =	sadd.s32 s7, s0;
	s7 =	sadd.s32 $0x4000, s5  }
0xf: {  	s9 =	sadd.s32 $0x8000, s5;
	s10 =	sadd.s32 $0xA000, s5;
	s11 =	sadd.s32 $0xC000, s5  }
0x10: {  	s12 =	sadd.s32 $0xE000, s5;
	s13 =	sadd.s32 $0x10000, s5;
	s15 =	sadd.s32 $0x12000, s5  }
0x11: {  	s18 =	smax.u32 s18, $0x1;
	s25 =	simm.s32 $0x1;
	s14 =	sadd.s32 s6, s0  }
0x12: {  	s16 =	sadd.s32 $0x48C00, s16;
	s6 =	sor.u32 s8, s24;
	s8 =	sadd.s32 $0x6000, s5  }
0x13: {  	s19 =	sadd.s32 $0x3000, s14;
	s20 =	sadd.s32 $0xCE00, s14;
	s6 =	sshrl.u32 s6, $0x3  }
0x14: {  	s24 =	simm.s32 $0x100;
	s17 =	sadd.s32 s6, s0;
	s0 =	simm.s32 $0x69  }
0x15: {  	v0 =	vimm.f32 $0.0e+00;
	v1 =	vimm.f32 $1.000000000e+00;
	s6 =	sadd.s32 $0x2000, s5;
	s0 =	simm.s32 @!p0 $0x35;
	s17 =	sadd.s32 $0x3EC00, s17  }
.LBB2_1:
0x16: {  	s14 =	simm.s32 $0x0;
	s30 =	simm.s32 $0x200  }
.LBB2_2:
0x17: {  	p0 =	sne.s32 s30, $0x7E00;
	[tilespmem:s14+$0x4170] =	vst v0  }
0x18: {  	[tilespmem:s14+$0x4100] =	vst v0  }
0x19: {  	[tilespmem:s14+$0x4110] =	vst v0  }
.Ltmp0:
0x1a: {  	[tilespmem:s14+$0x4120] =	vst v0;
	(pc) =	sbr.rel @p0 .LBB2_2-.Ltmp0, $4  }
0x1b: {  	[tilespmem:s14+$0x4130] =	vst v0  }
0x1c: {  	[tilespmem:s14+$0x4140] =	vst v0  }
0x1d: {  	[tilespmem:s14+$0x4150] =	vst v0  }
0x1e: {  	[tilespmem:s14+$0x4160] =	vst v0;
	s14 =	sshra.s32 s30, $0x2;
	s30 =	sadd.s32 $0x200, s30  }
0x1f: {  	[tilespmem:s14+$0x4170] =	vst v0  }
0x20: {  	[tilespmem:s14+$0x4100] =	vst v0  }
0x21: {  	[tilespmem:s14+$0x4110] =	vst v0  }
0x22: {  	[tilespmem:s14+$0x4120] =	vst v0  }
0x23: {  	[tilespmem:s14+$0x4130] =	vst v0  }
0x24: {  	[tilespmem:s14+$0x4140] =	vst v0  }
0x25: {  	[tilespmem:s14+$0x4150] =	vst v0  }
0x26: {  	[tilespmem:s14+$0x4160] =	vst v0;
	s14 =	simm.s32 $0x40;
	s30 =	simm.s32 $0x0  }
.LBB2_4:
0x27: {  	p0 =	sne.s32 s14, $0x9FC0;
	[tilespmem:s30+$0x6100] =	vst v0;
	s30 =	smov.u32 s14;
	s14 =	sadd.s32 $0x40, s14  }
.Ltmp1:
0x28: {  	(pc) =	sbr.rel @p0 .LBB2_4-.Ltmp1, $2  }
0x29: {  	_ =	sdelay $0x2  }
0x2a: {  	s30 =	sshra.s32 s30, $0x2  }
0x2b: {  	[tilespmem:s30+$0x6100] =	vst v0  }
0x2c: {  	[spmem:s5] =	stream.linear.scatter [tilespmem:s21], [sflag:$0x2], $0x2000, $0x38;
	[tilespmem:$0x1C900] =	vst v63  }
0x2d: {  	_ =	swait.ge [sflag:s22], $0x2000  }
0x2e: {  	[sflag:s22] =	ssyncset.done $0x0  }
0x2f: {  	[sflag:s22] =	ssyncadd.s32 $0xFFFFE000  }
0x30: {  	[spmem:s6] =	stream.linear.scatter [tilespmem:s21], [sflag:$0x2], $0x2000, $0x38;
	[tilespmem:$0x1C900] =	vst v63  }
0x31: {  	_ =	swait.ge [sflag:s22], $0x2000  }
0x32: {  	[sflag:s22] =	ssyncset.done $0x0  }
0x33: {  	[sflag:s22] =	ssyncadd.s32 $0xFFFFE000  }
0x34: {  	[spmem:s7] =	stream.linear.scatter [tilespmem:s21], [sflag:$0x2], $0x2000, $0x38;
	[tilespmem:$0x1C900] =	vst v63  }
0x35: {  	_ =	swait.ge [sflag:s22], $0x2000  }
0x36: {  	[sflag:s22] =	ssyncset.done $0x0  }
0x37: {  	[sflag:s22] =	ssyncadd.s32 $0xFFFFE000  }
0x38: {  	[spmem:s8] =	stream.linear.scatter [tilespmem:s21], [sflag:$0x2], $0x2000, $0x38;
	[tilespmem:$0x1C900] =	vst v63  }
0x39: {  	_ =	swait.ge [sflag:s22], $0x2000  }
0x3a: {  	[sflag:s22] =	ssyncset.done $0x0  }
0x3b: {  	[sflag:s22] =	ssyncadd.s32 $0xFFFFE000  }
0x3c: {  	[spmem:s9] =	stream.linear.scatter [tilespmem:s21], [sflag:$0x2], $0x2000, $0x38;
	[tilespmem:$0x1C900] =	vst v63  }
0x3d: {  	_ =	swait.ge [sflag:s22], $0x2000  }
0x3e: {  	[sflag:s22] =	ssyncset.done $0x0  }
0x3f: {  	[sflag:s22] =	ssyncadd.s32 $0xFFFFE000  }
0x40: {  	[spmem:s10] =	stream.linear.scatter [tilespmem:s21], [sflag:$0x2], $0x2000, $0x38;
	[tilespmem:$0x1C900] =	vst v63  }
0x41: {  	_ =	swait.ge [sflag:s22], $0x2000  }
0x42: {  	[sflag:s22] =	ssyncset.done $0x0  }
0x43: {  	[sflag:s22] =	ssyncadd.s32 $0xFFFFE000  }
0x44: {  	[spmem:s11] =	stream.linear.scatter [tilespmem:s21], [sflag:$0x2], $0x2000, $0x38;
	[tilespmem:$0x1C900] =	vst v63  }
0x45: {  	_ =	swait.ge [sflag:s22], $0x2000  }
0x46: {  	[sflag:s22] =	ssyncset.done $0x0  }
0x47: {  	[sflag:s22] =	ssyncadd.s32 $0xFFFFE000  }
0x48: {  	[spmem:s12] =	stream.linear.scatter [tilespmem:s21], [sflag:$0x2], $0x2000, $0x38;
	[tilespmem:$0x1C900] =	vst v63  }
0x49: {  	_ =	swait.ge [sflag:s22], $0x2000  }
0x4a: {  	[sflag:s22] =	ssyncset.done $0x0  }
0x4b: {  	[sflag:s22] =	ssyncadd.s32 $0xFFFFE000  }
0x4c: {  	[spmem:s13] =	stream.linear.scatter [tilespmem:s21], [sflag:$0x2], $0x2000, $0x38;
	[tilespmem:$0x1C900] =	vst v63  }
0x4d: {  	_ =	swait.ge [sflag:s22], $0x2000  }
0x4e: {  	[sflag:s22] =	ssyncset.done $0x0  }
0x4f: {  	[sflag:s22] =	ssyncadd.s32 $0xFFFFE000  }
0x50: {  	[spmem:s15] =	stream.linear.scatter [tilespmem:s21], [sflag:$0x2], $0x2000, $0x38;
	[tilespmem:$0x1C900] =	vst v63  }
0x51: {  	_ =	swait.ge [sflag:s22], $0x2000  }
0x52: {  	[sflag:s22] =	ssyncset.done $0x0  }
0x53: {  	s30 =	smov.u32 s20;
	[sflag:s22] =	ssyncadd.s32 $0xFFFFE000  }
0x54: {  	s31 =	smov.u32 s19;
	s14 =	smov.u32 s0;
	[bflag:$0x0] =	sbarrier.arrive $0xFFFF  }
.LBB2_6:
0x55: {  	[tilespmem:s3], [sflag:$0x2] =	stream.linear.gather [hbm4b:s30+s3], $0x80, $0x38;
	[tilespmem:$0x1C900] =	vst v63  }
0x56: {  	_ =	swait.ge [sflag:s22], $0x80  }
0x57: {  	[sflag:s22] =	ssyncset.done $0x0  }
0x58: {  	[sflag:s22] =	ssyncadd.s32 $0xFFFFFF80  }
0x59: {  	[tilespmem:s23], [sflag:$0x2] =	stream.linear.gather [hbm4b:s31+s3], $0x80, $0x38;
	[tilespmem:$0x1C900] =	vst v63  }
0x5a: {  	_ =	swait.ge [sflag:s22], $0x80  }
0x5b: {  	[sflag:s22] =	ssyncset.done $0x0  }
0x5c: {  	[sflag:s22] =	ssyncadd.s32 $0xFFFFFF80  }
0x5d: {  	[tilespmem:s24], [sflag:$0x1] =	stream.indirect.gather [hbm4b:s4+s23], $0x80, s3, s23, $0xb8;
	[tilespmem:$0x1C900] =	vst v63  }
0x5e: {  	_ =	swait.ge [sflag:s25], $0x4000  }
0x5f: {  	[sflag:s25] =	ssyncset.done $0x0  }
0x60: {  	[sflag:s25] =	ssyncadd.s32 $0xFFFFC000  }
0x61: {  	[spmem:s2] =	stream.indirect.scatter.add.f32 [tilespmem:s24], [sflag:$0x2], $0x80, s23, s23, $0xb8;
	[tilespmem:$0x1C900] =	vst v63  }
0x62: {  	_ =	swait.ge [sflag:s22], $0x4000  }
0x63: {  	[sflag:s22] =	ssyncset.done $0x0  }
0x64: {  	[sflag:s22] =	ssyncadd.s32 $0xFFFFC000  }
0x65: {  	v2 =	vld [tilespmem:$0x80];
	_ =	sdelay $0x7  }
0x66: {  	[tilespmem:v2+s26+$0x0] =	vst.idx.add.f32.msk $0xffff, v1  }
0x67: {  	v2 =	vld [tilespmem:$0x90];
	_ =	sdelay $0x7  }
0x68: {  	[tilespmem:v2+s26+$0x0] =	vst.idx.add.f32.msk $0xffff, v1  }
0x69: {  	v2 =	vld [tilespmem:$0xA0];
	_ =	sdelay $0x7  }
0x6a: {  	[tilespmem:v2+s26+$0x0] =	vst.idx.add.f32.msk $0xffff, v1  }
0x6b: {  	v2 =	vld [tilespmem:$0xB0];
	_ =	sdelay $0x7  }
0x6c: {  	[tilespmem:v2+s26+$0x0] =	vst.idx.add.f32.msk $0xffff, v1  }
0x6d: {  	v2 =	vld [tilespmem:$0xC0];
	_ =	sdelay $0x7  }
0x6e: {  	[tilespmem:v2+s26+$0x0] =	vst.idx.add.f32.msk $0xffff, v1  }
0x6f: {  	v2 =	vld [tilespmem:$0xD0];
	_ =	sdelay $0x7  }
0x70: {  	[tilespmem:v2+s26+$0x0] =	vst.idx.add.f32.msk $0xffff, v1  }
0x71: {  	v2 =	vld [tilespmem:$0xE0];
	_ =	sdelay $0x7  }
0x72: {  	[tilespmem:v2+s26+$0x0] =	vst.idx.add.f32.msk $0xffff, v1  }
0x73: {  	v2 =	vld [tilespmem:$0xF0];
	_ =	sdelay $0x2  }
0x74: {  	p0 =	sne.s32 s14, $0x1  }
.Ltmp2:
0x75: {  	_ = 	snop;
	(pc) =	sbr.rel @p0 .LBB2_6-.Ltmp2, $2  }
0x76: {  	_ =	sdelay $0x2  }
0x77: {  	s30 =	sadd.s32 $0x10, s30;
	s14 =	sadd.s32 $0xFFFFFFFF, s14;
	s31 =	sadd.s32 $0x10, s31;
	[tilespmem:v2+s26+$0x0] =	vst.idx.add.f32.msk $0xffff, v1  }
0x78: {  	s14 =	sshll.u32 s1, $0x6  }
0x79: {  	[bflag:$0x0] =	sbarrier.arrive $0xFFFF;
	s30 =	sshrl.u32 s5, $0x3;
	s14 =	sor.u32 $0x1C02, s14  }
0x7a: {  	[hbm:s16], [sflag:s14] =	dma.local [spmem:s30], $0x2800  }
0x7b: {  	s29 =	sadd.s32 $0x1, s29;
	_ =	swait.ge [sflag:s22], $0x2800  }
0x7c: {  	p0 =	sne.s32 s29, s18;
	[sflag:s22] =	ssyncset.done $0x0  }
.Ltmp3:
0x7d: {  	[sflag:s22] =	ssyncadd.s32 $0xFFFFD800;
	(pc) =	sbr.rel @p0 .LBB2_1-.Ltmp3, $4  }
0x7e: {  	[hbm4b:s17+s23] =	stream.strided.scatter [tilespmem:s26], [sflag:$0x2], $0x2800, s28, s23, $0x38;
	[tilespmem:$0x1C900] =	vst v63  }
0x7f: {  	_ =	swait.ge [sflag:s22], $0x2800  }
0x80: {  	[sflag:s22] =	ssyncset.done $0x0  }
0x81: {  	[sflag:s22] =	ssyncadd.s32 $0xFFFFD800  }
0x82: {  	_ =	sfence.sel $0x180000  }
0x83: {  	[bflag:$0x0] =	sbarrier.arrive $0xFFFF  }
0x84: {  	_ =	strace $0x90000047  }
0x85: {  	[bflag:$0x2] =	sbarrier.arrive $0xFFFF  }
0x86: {  	p0 =	sne.s32 s1, $0x0;
	s0 =	rddreg [dreg:$0x2]  }
0x87: {  	s0 =	sadd.s32 @!p0 $0x100000, s0  }
0x88: {  	[sflag:s0] =	ssyncadd.tile.s32 @!p0 $0x1;
	_ =	shalt  }
.Lfunc_end2:
_tile_overlayer_lowered:
.L_overlay_start_2:
0x89: {  	(tag) =	ssettag $0x2  }
0x8a: {  	s0 =	rddreg [dreg:$0x0];
	s2 =	stileid.u32  }
0x8b: {  	s1 =	rddreg [dreg:$0x1];
	p0 =	sne.s32 s2, $0x0  }
0x8c: {  	s3 =	rddreg [dreg:$0x2];
	[bflag:$0x3] =	sbarrier.arrive $0xFFFF;
	s2 =	simm.s32 @!p0 $0x1C02  }
0x8d: {  	[timem:s3], [sflag:s2] =	dma.local @!p0 [hbm:s0], s1  }
0x8e: {  	s0 =	simm.s32 @!p0 $0x2  }
0x8f: {  	_ =	swait.ge @!p0 [sflag:s0], s1  }
0x90: {  	s1 =	ssub.s32 @!p0 $0x0, s1;
	[sflag:s0] =	ssyncset.done @!p0 $0x0  }
0x91: {  	[sflag:s0] =	ssyncadd.s32 @!p0 s1  }
0x92: {  	[bflag:$0x3] =	sbarrier.arrive $0xFFFF  }
0x93: {  	_ =	shalt  }

</sc_bundles>
